<compile_context>
chip_gen: v7x
topology: tpu7x:2x2x1
jax: 0.10.2.dev20260603
libtpu: 0.0.44.dev20260713+nightly
codegen_flags: <defaults>
</compile_context>

<pallas_src>
import functools

import jax
import jax.numpy as jnp
from jax import lax
from jax.experimental import pallas as pl
from jax.experimental.pallas import tpu as pltpu
from jax.experimental.pallas import tpu_sc as plsc

V = 8192
D = 8192
B = 4096

_info = plsc.get_sparse_core_info()
_NC, _NS = _info.num_cores, _info.num_subcores
NW = _NC * _NS
B_PER_W = B // NW
K = 1
NCH = B_PER_W // K
NB = 8
LAG = 6
R = NCH // NB

_mesh = plsc.VectorSubcoreMesh(core_axis_name="c", subcore_axis_name="s")


@functools.partial(
    pl.kernel,
    mesh=_mesh,
    out_type=jax.ShapeDtypeStruct((B, D), jnp.float32),
    scratch_types=[
        pltpu.VMEM((NCH, K), jnp.int32),
        pltpu.VMEM((NB, K, D), jnp.float32),
        pltpu.SemaphoreType.DMA((NB,)),
        pltpu.SemaphoreType.DMA((NB,)),
    ],
)
def _gather_rows(table, idx_hbm, out, idx_v, bufs, gsem, wsem):
    wid = lax.axis_index("s") * _NC + lax.axis_index("c")
    base = wid * B_PER_W
    pltpu.sync_copy(idx_hbm.at[wid], idx_v)

    def issue_g(b, c):
        pltpu.async_copy(table.at[idx_v.at[c]], bufs.at[b], gsem.at[b])

    def wait_g(b, c):
        pltpu.make_async_copy(
            table.at[idx_v.at[c]], bufs.at[b], gsem.at[b]
        ).wait()

    def issue_w(b, c):
        pltpu.async_copy(
            bufs.at[b], out.at[pl.ds(base + c * K, K)], wsem.at[b]
        )

    def wait_w(b, c):
        pltpu.make_async_copy(
            bufs.at[b], out.at[pl.ds(base + c * K, K)], wsem.at[b]
        ).wait()

    for b in range(NB):
        issue_g(b, b)
    for c in range(NB - LAG):
        wait_g(c, c)
        issue_w(c, c)

    def round_body(r, carry):
        c0 = r * NB
        for b in range(NB):
            bd = (b - LAG) % NB
            wait_w(b, c0 + b - NB)
            issue_g(b, c0 + b)
            wait_g(bd, c0 + b - LAG)
            issue_w(bd, c0 + b - LAG)
        return carry

    lax.fori_loop(1, R, round_body, 0)

    for i in range(LAG):
        c = NCH - LAG + i
        b = c % NB
        wait_g(b, c)
        issue_w(b, c)
    for b in range(NB):
        wait_w(b, NCH - NB + b)


def kernel(idx, logits):
    idx3 = idx.astype(jnp.int32).reshape(NW, NCH, K)
    return _gather_rows(logits, idx3)

# --- scband reference (transcript-rebuilt; emitter-appended) ---
"""Pipeline reference for scband-bigram-ref-13168369730155 (READ-ONLY COPY).

The authoritative reference and input builder live on the scoring server;
editing this copy changes nothing except your own understanding.
"""

import jax, jax.numpy as jnp
import numpy as np

V = 8192
B = 4096

def setup_inputs(seed: int = 0) -> dict:
    key = jax.random.key(seed)
    k1, k2 = jax.random.split(key)
    # counts buffer from __init__ (simulated integer bigram counts)
    counts = jax.random.randint(k1, (V, V), 0, 100).astype(jnp.float32)
    # __init__ precomputes the add-one-smoothed log-prob table as a buffer
    probs = (counts + 1.0) / (counts.sum(1, keepdims=True) + V)
    logits = jnp.log(probs)
    idx = jax.random.randint(k2, (B,), 0, V)
    return {"idx": idx, "logits": logits}

def reference(idx, logits):
    # forward: prev = idx; return self.logits[prev]  (pure row gather)
    prev = idx
    return jnp.take(logits, prev, axis=0)

if __name__ == "__main__":
    import jax
    _d = setup_inputs()
    print(jax.jit(kernel)(*tuple(_d.values())))

</pallas_src>

<mosaic_0001>
#map = affine_map<(d0, d1) -> (0, 0)>
#map1 = affine_map<(d0, d1) -> (0, 0, 0)>
module attributes {stable_mosaic.version = 14 : i64} {
  func.func @_gather_rows(%arg0: i32, %arg1: i32, %arg2: memref<8192x8192xf32, #tpu.memory_space<hbm>>, %arg3: memref<32x128x1xi32, #tpu.memory_space<hbm>>, %arg4: memref<4096x8192xf32, #tpu.memory_space<hbm>>, %arg5: memref<128x1xi32, #tpu.memory_space<vmem>>, %arg6: memref<8x1x8192xf32, #tpu.memory_space<vmem>>, %arg7: memref<8x!tpu.dma_semaphore, #tpu.memory_space<semaphore_mem>>, %arg8: memref<8x!tpu.dma_semaphore, #tpu.memory_space<semaphore_mem>>) attributes {dimension_semantics = [#tpu.dimension_semantics<core_parallel>, #tpu.dimension_semantics<subcore_parallel>], iteration_bounds = array<i64: 2, 16>, scalar_prefetch = 0 : i64, scratch_operands = 4 : i64, tpu.core_type = #tpu.core_type<sc_vector_subcore>, window_params = [{transform_indices = #map}, {transform_indices = #map1}, {transform_indices = #map}]} {
    %mul3A = arith.constant 2 : i32
    %mul3A_0 = arith.muli %arg1, %mul3A : i32
    %add3A = arith.addi %mul3A_0, %arg0 : i32
    %mul3A_1 = arith.constant 128 : i32
    %mul3A_2 = arith.muli %add3A, %mul3A_1 : i32
    "tpu.region"() ({
      %run_scoped3A = tpu.sem_alloc : memref<!tpu.dma_semaphore, #tpu.memory_space<semaphore_mem>>
      %dma_start3A_534 = arith.constant 0 : i32
      %dma_start3A_535 = arith.constant 0 : i32
      %dma_start3A_536 = tpu.memref_slice %arg3[%add3A, %dma_start3A_534, %dma_start3A_535] : memref<32x128x1xi32, #tpu.memory_space<hbm>> -> memref<1x128x1xi32, #tpu.memory_space<hbm>>
      %dma_start3A_537 = tpu.memref_squeeze %dma_start3A_536 : memref<1x128x1xi32, #tpu.memory_space<hbm>> -> memref<128x1xi32, #tpu.memory_space<hbm>>
      %dma_start3A_538 = arith.constant 0 : i32
      %dma_start3A_539 = arith.constant 0 : i32
      %dma_start3A_540 = tpu.memref_slice %arg3[%add3A, %dma_start3A_538, %dma_start3A_539] : memref<32x128x1xi32, #tpu.memory_space<hbm>> -> memref<1x128x1xi32, #tpu.memory_space<hbm>>
      %dma_start3A_541 = tpu.memref_squeeze %dma_start3A_540 : memref<1x128x1xi32, #tpu.memory_space<hbm>> -> memref<128x1xi32, #tpu.memory_space<hbm>>
      tpu.enqueue_dma source(%dma_start3A_541 : memref<128x1xi32, #tpu.memory_space<hbm>>) target(%arg5 : memref<128x1xi32, #tpu.memory_space<vmem>>) target_semaphore(%run_scoped3A : memref<!tpu.dma_semaphore, #tpu.memory_space<semaphore_mem>>)
      %dma_wait3A_542 = arith.constant 0 : i32
      %dma_wait3A_543 = arith.constant 0 : i32
      %dma_wait3A_544 = tpu.memref_slice %arg3[%add3A, %dma_wait3A_542, %dma_wait3A_543] : memref<32x128x1xi32, #tpu.memory_space<hbm>> -> memref<1x128x1xi32, #tpu.memory_space<hbm>>
      %dma_wait3A_545 = tpu.memref_squeeze %dma_wait3A_544 : memref<1x128x1xi32, #tpu.memory_space<hbm>> -> memref<128x1xi32, #tpu.memory_space<hbm>>
      %dma_wait3A_546 = arith.constant 0 : i32
      %dma_wait3A_547 = arith.constant 0 : i32
      %dma_wait3A_548 = tpu.memref_slice %arg3[%add3A, %dma_wait3A_546, %dma_wait3A_547] : memref<32x128x1xi32, #tpu.memory_space<hbm>> -> memref<1x128x1xi32, #tpu.memory_space<hbm>>
      %dma_wait3A_549 = tpu.memref_squeeze %dma_wait3A_548 : memref<1x128x1xi32, #tpu.memory_space<hbm>> -> memref<128x1xi32, #tpu.memory_space<hbm>>
      tpu.wait_dma2 semaphore(%run_scoped3A : memref<!tpu.dma_semaphore, #tpu.memory_space<semaphore_mem>>) src(%dma_wait3A_549 : memref<128x1xi32, #tpu.memory_space<hbm>>) dst(%arg5 : memref<128x1xi32, #tpu.memory_space<vmem>>)
      tpu.yield
    }) : () -> ()
    %dma_start3A = arith.constant 0 : i32
    %dma_start3A_3 = arith.constant 0 : i32
    %dma_start3A_4 = arith.constant 0 : i32
    %dma_start3A_5 = arith.constant 0 : i32
    %dma_start3A_6 = arith.constant 0 : i32
    %dma_start3A_7 = tpu.memref_slice %arg6[%dma_start3A_3, %dma_start3A_5, %dma_start3A_6] : memref<8x1x8192xf32, #tpu.memory_space<vmem>> -> memref<1x1x8192xf32, #tpu.memory_space<vmem>>
    %dma_start3A_8 = tpu.memref_squeeze %dma_start3A_7 : memref<1x1x8192xf32, #tpu.memory_space<vmem>> -> memref<1x8192xf32, #tpu.memory_space<vmem>>
    %dma_start3A_9 = arith.constant 0 : i32
    %dma_start3A_10 = tpu.memref_slice %arg5[%dma_start3A, %dma_start3A_9] : memref<128x1xi32, #tpu.memory_space<vmem>> -> memref<1x1xi32, #tpu.memory_space<vmem>>
    %dma_start3A_11 = tpu.memref_squeeze %dma_start3A_10 : memref<1x1xi32, #tpu.memory_space<vmem>> -> memref<1xi32, #tpu.memory_space<vmem>>
    %dma_start3A_12 = arith.constant 0 : i32
    %dma_start3A_13 = arith.constant 0 : i32
    %dma_start3A_14 = tpu.memref_slice %arg2[%dma_start3A_12, %dma_start3A_13] : memref<8192x8192xf32, #tpu.memory_space<hbm>> -> memref<8192x8192xf32, #tpu.memory_space<hbm>>
    %dma_start3A_15 = tpu.memref_slice %arg7[%dma_start3A_4] : memref<8x!tpu.dma_semaphore, #tpu.memory_space<semaphore_mem>> -> memref<1x!tpu.dma_semaphore, #tpu.memory_space<semaphore_mem>>
    %dma_start3A_16 = tpu.memref_squeeze %dma_start3A_15 : memref<1x!tpu.dma_semaphore, #tpu.memory_space<semaphore_mem>> -> memref<!tpu.dma_semaphore, #tpu.memory_space<semaphore_mem>>
    tpu.enqueue_indirect_dma source(%dma_start3A_14 : memref<8192x8192xf32, #tpu.memory_space<hbm>>) target(%dma_start3A_8 : memref<1x8192xf32, #tpu.memory_space<vmem>>) offsets(%dma_start3A_11 : memref<1xi32, #tpu.memory_space<vmem>>) semaphore(%dma_start3A_16 : memref<!tpu.dma_semaphore, #tpu.memory_space<semaphore_mem>>)
    %dma_start3A_17 = arith.constant 1 : i32
    %dma_start3A_18 = arith.constant 1 : i32
    %dma_start3A_19 = arith.constant 1 : i32
    %dma_start3A_20 = arith.constant 0 : i32
    %dma_start3A_21 = arith.constant 0 : i32
    %dma_start3A_22 = tpu.memref_slice %arg6[%dma_start3A_18, %dma_start3A_20, %dma_start3A_21] : memref<8x1x8192xf32, #tpu.memory_space<vmem>> -> memref<1x1x8192xf32, #tpu.memory_space<vmem>>
    %dma_start3A_23 = tpu.memref_squeeze %dma_start3A_22 : memref<1x1x8192xf32, #tpu.memory_space<vmem>> -> memref<1x8192xf32, #tpu.memory_space<vmem>>
    %dma_start3A_24 = arith.constant 0 : i32
    %dma_start3A_25 = tpu.memref_slice %arg5[%dma_start3A_17, %dma_start3A_24] : memref<128x1xi32, #tpu.memory_space<vmem>> -> memref<1x1xi32, #tpu.memory_space<vmem>>
    %dma_start3A_26 = tpu.memref_squeeze %dma_start3A_25 : memref<1x1xi32, #tpu.memory_space<vmem>> -> memref<1xi32, #tpu.memory_space<vmem>>
    %dma_start3A_27 = arith.constant 0 : i32
    %dma_start3A_28 = arith.constant 0 : i32
    %dma_start3A_29 = tpu.memref_slice %arg2[%dma_start3A_27, %dma_start3A_28] : memref<8192x8192xf32, #tpu.memory_space<hbm>> -> memref<8192x8192xf32, #tpu.memory_space<hbm>>
    %dma_start3A_30 = tpu.memref_slice %arg7[%dma_start3A_19] : memref<8x!tpu.dma_semaphore, #tpu.memory_space<semaphore_mem>> -> memref<1x!tpu.dma_semaphore, #tpu.memory_space<semaphore_mem>>
    %dma_start3A_31 = tpu.memref_squeeze %dma_start3A_30 : memref<1x!tpu.dma_semaphore, #tpu.memory_space<semaphore_mem>> -> memref<!tpu.dma_semaphore, #tpu.memory_space<semaphore_mem>>
    tpu.enqueue_indirect_dma source(%dma_start3A_29 : memref<8192x8192xf32, #tpu.memory_space<hbm>>) target(%dma_start3A_23 : memref<1x8192xf32, #tpu.memory_space<vmem>>) offsets(%dma_start3A_26 : memref<1xi32, #tpu.memory_space<vmem>>) semaphore(%dma_start3A_31 : memref<!tpu.dma_semaphore, #tpu.memory_space<semaphore_mem>>)
    %dma_start3A_32 = arith.constant 2 : i32
    %dma_start3A_33 = arith.constant 2 : i32
    %dma_start3A_34 = arith.constant 2 : i32
    %dma_start3A_35 = arith.constant 0 : i32
    %dma_start3A_36 = arith.constant 0 : i32
    %dma_start3A_37 = tpu.memref_slice %arg6[%dma_start3A_33, %dma_start3A_35, %dma_start3A_36] : memref<8x1x8192xf32, #tpu.memory_space<vmem>> -> memref<1x1x8192xf32, #tpu.memory_space<vmem>>
    %dma_start3A_38 = tpu.memref_squeeze %dma_start3A_37 : memref<1x1x8192xf32, #tpu.memory_space<vmem>> -> memref<1x8192xf32, #tpu.memory_space<vmem>>
    %dma_start3A_39 = arith.constant 0 : i32
    %dma_start3A_40 = tpu.memref_slice %arg5[%dma_start3A_32, %dma_start3A_39] : memref<128x1xi32, #tpu.memory_space<vmem>> -> memref<1x1xi32, #tpu.memory_space<vmem>>
    %dma_start3A_41 = tpu.memref_squeeze %dma_start3A_40 : memref<1x1xi32, #tpu.memory_space<vmem>> -> memref<1xi32, #tpu.memory_space<vmem>>
    %dma_start3A_42 = arith.constant 0 : i32
    %dma_start3A_43 = arith.constant 0 : i32
    %dma_start3A_44 = tpu.memref_slice %arg2[%dma_start3A_42, %dma_start3A_43] : memref<8192x8192xf32, #tpu.memory_space<hbm>> -> memref<8192x8192xf32, #tpu.memory_space<hbm>>
    %dma_start3A_45 = tpu.memref_slice %arg7[%dma_start3A_34] : memref<8x!tpu.dma_semaphore, #tpu.memory_space<semaphore_mem>> -> memref<1x!tpu.dma_semaphore, #tpu.memory_space<semaphore_mem>>
    %dma_start3A_46 = tpu.memref_squeeze %dma_start3A_45 : memref<1x!tpu.dma_semaphore, #tpu.memory_space<semaphore_mem>> -> memref<!tpu.dma_semaphore, #tpu.memory_space<semaphore_mem>>
    tpu.enqueue_indirect_dma source(%dma_start3A_44 : memref<8192x8192xf32, #tpu.memory_space<hbm>>) target(%dma_start3A_38 : memref<1x8192xf32, #tpu.memory_space<vmem>>) offsets(%dma_start3A_41 : memref<1xi32, #tpu.memory_space<vmem>>) semaphore(%dma_start3A_46 : memref<!tpu.dma_semaphore, #tpu.memory_space<semaphore_mem>>)
    %dma_start3A_47 = arith.constant 3 : i32
    %dma_start3A_48 = arith.constant 3 : i32
    %dma_start3A_49 = arith.constant 3 : i32
    %dma_start3A_50 = arith.constant 0 : i32
    %dma_start3A_51 = arith.constant 0 : i32
    %dma_start3A_52 = tpu.memref_slice %arg6[%dma_start3A_48, %dma_start3A_50, %dma_start3A_51] : memref<8x1x8192xf32, #tpu.memory_space<vmem>> -> memref<1x1x8192xf32, #tpu.memory_space<vmem>>
    %dma_start3A_53 = tpu.memref_squeeze %dma_start3A_52 : memref<1x1x8192xf32, #tpu.memory_space<vmem>> -> memref<1x8192xf32, #tpu.memory_space<vmem>>
    %dma_start3A_54 = arith.constant 0 : i32
    %dma_start3A_55 = tpu.memref_slice %arg5[%dma_start3A_47, %dma_start3A_54] : memref<128x1xi32, #tpu.memory_space<vmem>> -> memref<1x1xi32, #tpu.memory_space<vmem>>
    %dma_start3A_56 = tpu.memref_squeeze %dma_start3A_55 : memref<1x1xi32, #tpu.memory_space<vmem>> -> memref<1xi32, #tpu.memory_space<vmem>>
    %dma_start3A_57 = arith.constant 0 : i32
    %dma_start3A_58 = arith.constant 0 : i32
    %dma_start3A_59 = tpu.memref_slice %arg2[%dma_start3A_57, %dma_start3A_58] : memref<8192x8192xf32, #tpu.memory_space<hbm>> -> memref<8192x8192xf32, #tpu.memory_space<hbm>>
    %dma_start3A_60 = tpu.memref_slice %arg7[%dma_start3A_49] : memref<8x!tpu.dma_semaphore, #tpu.memory_space<semaphore_mem>> -> memref<1x!tpu.dma_semaphore, #tpu.memory_space<semaphore_mem>>
    %dma_start3A_61 = tpu.memref_squeeze %dma_start3A_60 : memref<1x!tpu.dma_semaphore, #tpu.memory_space<semaphore_mem>> -> memref<!tpu.dma_semaphore, #tpu.memory_space<semaphore_mem>>
    tpu.enqueue_indirect_dma source(%dma_start3A_59 : memref<8192x8192xf32, #tpu.memory_space<hbm>>) target(%dma_start3A_53 : memref<1x8192xf32, #tpu.memory_space<vmem>>) offsets(%dma_start3A_56 : memref<1xi32, #tpu.memory_space<vmem>>) semaphore(%dma_start3A_61 : memref<!tpu.dma_semaphore, #tpu.memory_space<semaphore_mem>>)
    %dma_start3A_62 = arith.constant 4 : i32
    %dma_start3A_63 = arith.constant 4 : i32
    %dma_start3A_64 = arith.constant 4 : i32
    %dma_start3A_65 = arith.constant 0 : i32
    %dma_start3A_66 = arith.constant 0 : i32
    %dma_start3A_67 = tpu.memref_slice %arg6[%dma_start3A_63, %dma_start3A_65, %dma_start3A_66] : memref<8x1x8192xf32, #tpu.memory_space<vmem>> -> memref<1x1x8192xf32, #tpu.memory_space<vmem>>
    %dma_start3A_68 = tpu.memref_squeeze %dma_start3A_67 : memref<1x1x8192xf32, #tpu.memory_space<vmem>> -> memref<1x8192xf32, #tpu.memory_space<vmem>>
    %dma_start3A_69 = arith.constant 0 : i32
    %dma_start3A_70 = tpu.memref_slice %arg5[%dma_start3A_62, %dma_start3A_69] : memref<128x1xi32, #tpu.memory_space<vmem>> -> memref<1x1xi32, #tpu.memory_space<vmem>>
    %dma_start3A_71 = tpu.memref_squeeze %dma_start3A_70 : memref<1x1xi32, #tpu.memory_space<vmem>> -> memref<1xi32, #tpu.memory_space<vmem>>
    %dma_start3A_72 = arith.constant 0 : i32
    %dma_start3A_73 = arith.constant 0 : i32
    %dma_start3A_74 = tpu.memref_slice %arg2[%dma_start3A_72, %dma_start3A_73] : memref<8192x8192xf32, #tpu.memory_space<hbm>> -> memref<8192x8192xf32, #tpu.memory_space<hbm>>
    %dma_start3A_75 = tpu.memref_slice %arg7[%dma_start3A_64] : memref<8x!tpu.dma_semaphore, #tpu.memory_space<semaphore_mem>> -> memref<1x!tpu.dma_semaphore, #tpu.memory_space<semaphore_mem>>
    %dma_start3A_76 = tpu.memref_squeeze %dma_start3A_75 : memref<1x!tpu.dma_semaphore, #tpu.memory_space<semaphore_mem>> -> memref<!tpu.dma_semaphore, #tpu.memory_space<semaphore_mem>>
    tpu.enqueue_indirect_dma source(%dma_start3A_74 : memref<8192x8192xf32, #tpu.memory_space<hbm>>) target(%dma_start3A_68 : memref<1x8192xf32, #tpu.memory_space<vmem>>) offsets(%dma_start3A_71 : memref<1xi32, #tpu.memory_space<vmem>>) semaphore(%dma_start3A_76 : memref<!tpu.dma_semaphore, #tpu.memory_space<semaphore_mem>>)
    %dma_start3A_77 = arith.constant 5 : i32
    %dma_start3A_78 = arith.constant 5 : i32
    %dma_start3A_79 = arith.constant 5 : i32
    %dma_start3A_80 = arith.constant 0 : i32
    %dma_start3A_81 = arith.constant 0 : i32
    %dma_start3A_82 = tpu.memref_slice %arg6[%dma_start3A_78, %dma_start3A_80, %dma_start3A_81] : memref<8x1x8192xf32, #tpu.memory_space<vmem>> -> memref<1x1x8192xf32, #tpu.memory_space<vmem>>
    %dma_start3A_83 = tpu.memref_squeeze %dma_start3A_82 : memref<1x1x8192xf32, #tpu.memory_space<vmem>> -> memref<1x8192xf32, #tpu.memory_space<vmem>>
    %dma_start3A_84 = arith.constant 0 : i32
    %dma_start3A_85 = tpu.memref_slice %arg5[%dma_start3A_77, %dma_start3A_84] : memref<128x1xi32, #tpu.memory_space<vmem>> -> memref<1x1xi32, #tpu.memory_space<vmem>>
    %dma_start3A_86 = tpu.memref_squeeze %dma_start3A_85 : memref<1x1xi32, #tpu.memory_space<vmem>> -> memref<1xi32, #tpu.memory_space<vmem>>
    %dma_start3A_87 = arith.constant 0 : i32
    %dma_start3A_88 = arith.constant 0 : i32
    %dma_start3A_89 = tpu.memref_slice %arg2[%dma_start3A_87, %dma_start3A_88] : memref<8192x8192xf32, #tpu.memory_space<hbm>> -> memref<8192x8192xf32, #tpu.memory_space<hbm>>
    %dma_start3A_90 = tpu.memref_slice %arg7[%dma_start3A_79] : memref<8x!tpu.dma_semaphore, #tpu.memory_space<semaphore_mem>> -> memref<1x!tpu.dma_semaphore, #tpu.memory_space<semaphore_mem>>
    %dma_start3A_91 = tpu.memref_squeeze %dma_start3A_90 : memref<1x!tpu.dma_semaphore, #tpu.memory_space<semaphore_mem>> -> memref<!tpu.dma_semaphore, #tpu.memory_space<semaphore_mem>>
    tpu.enqueue_indirect_dma source(%dma_start3A_89 : memref<8192x8192xf32, #tpu.memory_space<hbm>>) target(%dma_start3A_83 : memref<1x8192xf32, #tpu.memory_space<vmem>>) offsets(%dma_start3A_86 : memref<1xi32, #tpu.memory_space<vmem>>) semaphore(%dma_start3A_91 : memref<!tpu.dma_semaphore, #tpu.memory_space<semaphore_mem>>)
    %dma_start3A_92 = arith.constant 6 : i32
    %dma_start3A_93 = arith.constant 6 : i32
    %dma_start3A_94 = arith.constant 6 : i32
    %dma_start3A_95 = arith.constant 0 : i32
    %dma_start3A_96 = arith.constant 0 : i32
    %dma_start3A_97 = tpu.memref_slice %arg6[%dma_start3A_93, %dma_start3A_95, %dma_start3A_96] : memref<8x1x8192xf32, #tpu.memory_space<vmem>> -> memref<1x1x8192xf32, #tpu.memory_space<vmem>>
    %dma_start3A_98 = tpu.memref_squeeze %dma_start3A_97 : memref<1x1x8192xf32, #tpu.memory_space<vmem>> -> memref<1x8192xf32, #tpu.memory_space<vmem>>
    %dma_start3A_99 = arith.constant 0 : i32
    %dma_start3A_100 = tpu.memref_slice %arg5[%dma_start3A_92, %dma_start3A_99] : memref<128x1xi32, #tpu.memory_space<vmem>> -> memref<1x1xi32, #tpu.memory_space<vmem>>
    %dma_start3A_101 = tpu.memref_squeeze %dma_start3A_100 : memref<1x1xi32, #tpu.memory_space<vmem>> -> memref<1xi32, #tpu.memory_space<vmem>>
    %dma_start3A_102 = arith.constant 0 : i32
    %dma_start3A_103 = arith.constant 0 : i32
    %dma_start3A_104 = tpu.memref_slice %arg2[%dma_start3A_102, %dma_start3A_103] : memref<8192x8192xf32, #tpu.memory_space<hbm>> -> memref<8192x8192xf32, #tpu.memory_space<hbm>>
    %dma_start3A_105 = tpu.memref_slice %arg7[%dma_start3A_94] : memref<8x!tpu.dma_semaphore, #tpu.memory_space<semaphore_mem>> -> memref<1x!tpu.dma_semaphore, #tpu.memory_space<semaphore_mem>>
    %dma_start3A_106 = tpu.memref_squeeze %dma_start3A_105 : memref<1x!tpu.dma_semaphore, #tpu.memory_space<semaphore_mem>> -> memref<!tpu.dma_semaphore, #tpu.memory_space<semaphore_mem>>
    tpu.enqueue_indirect_dma source(%dma_start3A_104 : memref<8192x8192xf32, #tpu.memory_space<hbm>>) target(%dma_start3A_98 : memref<1x8192xf32, #tpu.memory_space<vmem>>) offsets(%dma_start3A_101 : memref<1xi32, #tpu.memory_space<vmem>>) semaphore(%dma_start3A_106 : memref<!tpu.dma_semaphore, #tpu.memory_space<semaphore_mem>>)
    %dma_start3A_107 = arith.constant 7 : i32
    %dma_start3A_108 = arith.constant 7 : i32
    %dma_start3A_109 = arith.constant 7 : i32
    %dma_start3A_110 = arith.constant 0 : i32
    %dma_start3A_111 = arith.constant 0 : i32
    %dma_start3A_112 = tpu.memref_slice %arg6[%dma_start3A_108, %dma_start3A_110, %dma_start3A_111] : memref<8x1x8192xf32, #tpu.memory_space<vmem>> -> memref<1x1x8192xf32, #tpu.memory_space<vmem>>
    %dma_start3A_113 = tpu.memref_squeeze %dma_start3A_112 : memref<1x1x8192xf32, #tpu.memory_space<vmem>> -> memref<1x8192xf32, #tpu.memory_space<vmem>>
    %dma_start3A_114 = arith.constant 0 : i32
    %dma_start3A_115 = tpu.memref_slice %arg5[%dma_start3A_107, %dma_start3A_114] : memref<128x1xi32, #tpu.memory_space<vmem>> -> memref<1x1xi32, #tpu.memory_space<vmem>>
    %dma_start3A_116 = tpu.memref_squeeze %dma_start3A_115 : memref<1x1xi32, #tpu.memory_space<vmem>> -> memref<1xi32, #tpu.memory_space<vmem>>
    %dma_start3A_117 = arith.constant 0 : i32
    %dma_start3A_118 = arith.constant 0 : i32
    %dma_start3A_119 = tpu.memref_slice %arg2[%dma_start3A_117, %dma_start3A_118] : memref<8192x8192xf32, #tpu.memory_space<hbm>> -> memref<8192x8192xf32, #tpu.memory_space<hbm>>
    %dma_start3A_120 = tpu.memref_slice %arg7[%dma_start3A_109] : memref<8x!tpu.dma_semaphore, #tpu.memory_space<semaphore_mem>> -> memref<1x!tpu.dma_semaphore, #tpu.memory_space<semaphore_mem>>
    %dma_start3A_121 = tpu.memref_squeeze %dma_start3A_120 : memref<1x!tpu.dma_semaphore, #tpu.memory_space<semaphore_mem>> -> memref<!tpu.dma_semaphore, #tpu.memory_space<semaphore_mem>>
    tpu.enqueue_indirect_dma source(%dma_start3A_119 : memref<8192x8192xf32, #tpu.memory_space<hbm>>) target(%dma_start3A_113 : memref<1x8192xf32, #tpu.memory_space<vmem>>) offsets(%dma_start3A_116 : memref<1xi32, #tpu.memory_space<vmem>>) semaphore(%dma_start3A_121 : memref<!tpu.dma_semaphore, #tpu.memory_space<semaphore_mem>>)
    %dma_wait3A = arith.constant 0 : i32
    %dma_wait3A_122 = arith.constant 0 : i32
    %dma_wait3A_123 = arith.constant 0 : i32
    %dma_wait3A_124 = arith.constant 0 : i32
    %dma_wait3A_125 = arith.constant 0 : i32
    %dma_wait3A_126 = tpu.memref_slice %arg6[%dma_wait3A_122, %dma_wait3A_124, %dma_wait3A_125] : memref<8x1x8192xf32, #tpu.memory_space<vmem>> -> memref<1x1x8192xf32, #tpu.memory_space<vmem>>
    %dma_wait3A_127 = tpu.memref_squeeze %dma_wait3A_126 : memref<1x1x8192xf32, #tpu.memory_space<vmem>> -> memref<1x8192xf32, #tpu.memory_space<vmem>>
    %dma_wait3A_128 = arith.constant 0 : i32
    %dma_wait3A_129 = tpu.memref_slice %arg5[%dma_wait3A, %dma_wait3A_128] : memref<128x1xi32, #tpu.memory_space<vmem>> -> memref<1x1xi32, #tpu.memory_space<vmem>>
    %dma_wait3A_130 = tpu.memref_squeeze %dma_wait3A_129 : memref<1x1xi32, #tpu.memory_space<vmem>> -> memref<1xi32, #tpu.memory_space<vmem>>
    %dma_wait3A_131 = arith.constant 0 : i32
    %dma_wait3A_132 = arith.constant 0 : i32
    %dma_wait3A_133 = tpu.memref_slice %arg2[%dma_wait3A_131, %dma_wait3A_132] : memref<8192x8192xf32, #tpu.memory_space<hbm>> -> memref<8192x8192xf32, #tpu.memory_space<hbm>>
    %dma_wait3A_134 = tpu.memref_slice %arg7[%dma_wait3A_123] : memref<8x!tpu.dma_semaphore, #tpu.memory_space<semaphore_mem>> -> memref<1x!tpu.dma_semaphore, #tpu.memory_space<semaphore_mem>>
    %dma_wait3A_135 = tpu.memref_squeeze %dma_wait3A_134 : memref<1x!tpu.dma_semaphore, #tpu.memory_space<semaphore_mem>> -> memref<!tpu.dma_semaphore, #tpu.memory_space<semaphore_mem>>
    tpu.wait_indirect_dma semaphore(%dma_wait3A_135 : memref<!tpu.dma_semaphore, #tpu.memory_space<semaphore_mem>>) src(%dma_wait3A_133 : memref<8192x8192xf32, #tpu.memory_space<hbm>>) dst(%dma_wait3A_127 : memref<1x8192xf32, #tpu.memory_space<vmem>>)
    %add3A_136 = arith.constant 0 : i32
    %add3A_137 = arith.addi %mul3A_2, %add3A_136 : i32
    %dma_start3A_138 = arith.constant 0 : i32
    %dma_start3A_139 = arith.constant 0 : i32
    %dma_start3A_140 = arith.constant 0 : i32
    %dma_start3A_141 = arith.constant 0 : i32
    %dma_start3A_142 = tpu.memref_slice %arg6[%dma_start3A_138, %dma_start3A_140, %dma_start3A_141] : memref<8x1x8192xf32, #tpu.memory_space<vmem>> -> memref<1x1x8192xf32, #tpu.memory_space<vmem>>
    %dma_start3A_143 = tpu.memref_squeeze %dma_start3A_142 : memref<1x1x8192xf32, #tpu.memory_space<vmem>> -> memref<1x8192xf32, #tpu.memory_space<vmem>>
    %dma_start3A_144 = arith.constant 0 : i32
    %dma_start3A_145 = tpu.memref_slice %arg4[%add3A_137, %dma_start3A_144] : memref<4096x8192xf32, #tpu.memory_space<hbm>> -> memref<1x8192xf32, #tpu.memory_space<hbm>>
    %dma_start3A_146 = tpu.memref_slice %arg8[%dma_start3A_139] : memref<8x!tpu.dma_semaphore, #tpu.memory_space<semaphore_mem>> -> memref<1x!tpu.dma_semaphore, #tpu.memory_space<semaphore_mem>>
    %dma_start3A_147 = tpu.memref_squeeze %dma_start3A_146 : memref<1x!tpu.dma_semaphore, #tpu.memory_space<semaphore_mem>> -> memref<!tpu.dma_semaphore, #tpu.memory_space<semaphore_mem>>
    %dma_start3A_148 = arith.constant 0 : i32
    %dma_start3A_149 = tpu.memref_slice %arg4[%add3A_137, %dma_start3A_148] : memref<4096x8192xf32, #tpu.memory_space<hbm>> -> memref<1x8192xf32, #tpu.memory_space<hbm>>
    %dma_start3A_150 = arith.constant 0 : i32
    %dma_start3A_151 = arith.constant 0 : i32
    %dma_start3A_152 = tpu.memref_slice %arg6[%dma_start3A_138, %dma_start3A_150, %dma_start3A_151] : memref<8x1x8192xf32, #tpu.memory_space<vmem>> -> memref<1x1x8192xf32, #tpu.memory_space<vmem>>
    %dma_start3A_153 = tpu.memref_squeeze %dma_start3A_152 : memref<1x1x8192xf32, #tpu.memory_space<vmem>> -> memref<1x8192xf32, #tpu.memory_space<vmem>>
    tpu.enqueue_dma source(%dma_start3A_153 : memref<1x8192xf32, #tpu.memory_space<vmem>>) target(%dma_start3A_149 : memref<1x8192xf32, #tpu.memory_space<hbm>>) target_semaphore(%dma_start3A_147 : memref<!tpu.dma_semaphore, #tpu.memory_space<semaphore_mem>>)
    %dma_wait3A_154 = arith.constant 1 : i32
    %dma_wait3A_155 = arith.constant 1 : i32
    %dma_wait3A_156 = arith.constant 1 : i32
    %dma_wait3A_157 = arith.constant 0 : i32
    %dma_wait3A_158 = arith.constant 0 : i32
    %dma_wait3A_159 = tpu.memref_slice %arg6[%dma_wait3A_155, %dma_wait3A_157, %dma_wait3A_158] : memref<8x1x8192xf32, #tpu.memory_space<vmem>> -> memref<1x1x8192xf32, #tpu.memory_space<vmem>>
    %dma_wait3A_160 = tpu.memref_squeeze %dma_wait3A_159 : memref<1x1x8192xf32, #tpu.memory_space<vmem>> -> memref<1x8192xf32, #tpu.memory_space<vmem>>
    %dma_wait3A_161 = arith.constant 0 : i32
    %dma_wait3A_162 = tpu.memref_slice %arg5[%dma_wait3A_154, %dma_wait3A_161] : memref<128x1xi32, #tpu.memory_space<vmem>> -> memref<1x1xi32, #tpu.memory_space<vmem>>
    %dma_wait3A_163 = tpu.memref_squeeze %dma_wait3A_162 : memref<1x1xi32, #tpu.memory_space<vmem>> -> memref<1xi32, #tpu.memory_space<vmem>>
    %dma_wait3A_164 = arith.constant 0 : i32
    %dma_wait3A_165 = arith.constant 0 : i32
    %dma_wait3A_166 = tpu.memref_slice %arg2[%dma_wait3A_164, %dma_wait3A_165] : memref<8192x8192xf32, #tpu.memory_space<hbm>> -> memref<8192x8192xf32, #tpu.memory_space<hbm>>
    %dma_wait3A_167 = tpu.memref_slice %arg7[%dma_wait3A_156] : memref<8x!tpu.dma_semaphore, #tpu.memory_space<semaphore_mem>> -> memref<1x!tpu.dma_semaphore, #tpu.memory_space<semaphore_mem>>
    %dma_wait3A_168 = tpu.memref_squeeze %dma_wait3A_167 : memref<1x!tpu.dma_semaphore, #tpu.memory_space<semaphore_mem>> -> memref<!tpu.dma_semaphore, #tpu.memory_space<semaphore_mem>>
    tpu.wait_indirect_dma semaphore(%dma_wait3A_168 : memref<!tpu.dma_semaphore, #tpu.memory_space<semaphore_mem>>) src(%dma_wait3A_166 : memref<8192x8192xf32, #tpu.memory_space<hbm>>) dst(%dma_wait3A_160 : memref<1x8192xf32, #tpu.memory_space<vmem>>)
    %add3A_169 = arith.constant 1 : i32
    %add3A_170 = arith.addi %mul3A_2, %add3A_169 : i32
    %dma_start3A_171 = arith.constant 1 : i32
    %dma_start3A_172 = arith.constant 1 : i32
    %dma_start3A_173 = arith.constant 0 : i32
    %dma_start3A_174 = arith.constant 0 : i32
    %dma_start3A_175 = tpu.memref_slice %arg6[%dma_start3A_171, %dma_start3A_173, %dma_start3A_174] : memref<8x1x8192xf32, #tpu.memory_space<vmem>> -> memref<1x1x8192xf32, #tpu.memory_space<vmem>>
    %dma_start3A_176 = tpu.memref_squeeze %dma_start3A_175 : memref<1x1x8192xf32, #tpu.memory_space<vmem>> -> memref<1x8192xf32, #tpu.memory_space<vmem>>
    %dma_start3A_177 = arith.constant 0 : i32
    %dma_start3A_178 = tpu.memref_slice %arg4[%add3A_170, %dma_start3A_177] : memref<4096x8192xf32, #tpu.memory_space<hbm>> -> memref<1x8192xf32, #tpu.memory_space<hbm>>
    %dma_start3A_179 = tpu.memref_slice %arg8[%dma_start3A_172] : memref<8x!tpu.dma_semaphore, #tpu.memory_space<semaphore_mem>> -> memref<1x!tpu.dma_semaphore, #tpu.memory_space<semaphore_mem>>
    %dma_start3A_180 = tpu.memref_squeeze %dma_start3A_179 : memref<1x!tpu.dma_semaphore, #tpu.memory_space<semaphore_mem>> -> memref<!tpu.dma_semaphore, #tpu.memory_space<semaphore_mem>>
    %dma_start3A_181 = arith.constant 0 : i32
    %dma_start3A_182 = tpu.memref_slice %arg4[%add3A_170, %dma_start3A_181] : memref<4096x8192xf32, #tpu.memory_space<hbm>> -> memref<1x8192xf32, #tpu.memory_space<hbm>>
    %dma_start3A_183 = arith.constant 0 : i32
    %dma_start3A_184 = arith.constant 0 : i32
    %dma_start3A_185 = tpu.memref_slice %arg6[%dma_start3A_171, %dma_start3A_183, %dma_start3A_184] : memref<8x1x8192xf32, #tpu.memory_space<vmem>> -> memref<1x1x8192xf32, #tpu.memory_space<vmem>>
    %dma_start3A_186 = tpu.memref_squeeze %dma_start3A_185 : memref<1x1x8192xf32, #tpu.memory_space<vmem>> -> memref<1x8192xf32, #tpu.memory_space<vmem>>
    tpu.enqueue_dma source(%dma_start3A_186 : memref<1x8192xf32, #tpu.memory_space<vmem>>) target(%dma_start3A_182 : memref<1x8192xf32, #tpu.memory_space<hbm>>) target_semaphore(%dma_start3A_180 : memref<!tpu.dma_semaphore, #tpu.memory_space<semaphore_mem>>)
    %scan3A = arith.constant 0 : i32
    %scan3A_187 = arith.constant 1 : i32
    %scan3A_188 = arith.constant 15 : i32
    %scan3A_189 = arith.addi %scan3A_187, %scan3A_188 : i32
    %scan3A_190 = arith.constant 1 : i32
    scf.for %scan3A_534 = %scan3A_187 to %scan3A_189 step %scan3A_190  : i32 {
      %mul3A_535 = arith.constant 8 : i32
      %mul3A_536 = arith.muli %scan3A_534, %mul3A_535 : i32
      %add3A_537 = arith.constant 0 : i32
      %add3A_538 = arith.addi %mul3A_536, %add3A_537 : i32
      %sub3A = arith.constant 8 : i32
      %sub3A_539 = arith.subi %add3A_538, %sub3A : i32
      %mul3A_540 = arith.constant 1 : i32
      %mul3A_541 = arith.muli %sub3A_539, %mul3A_540 : i32
      %add3A_542 = arith.addi %mul3A_2, %mul3A_541 : i32
      %dma_wait3A_543 = arith.constant 0 : i32
      %dma_wait3A_544 = arith.constant 0 : i32
      %dma_wait3A_545 = arith.constant 0 : i32
      %dma_wait3A_546 = arith.constant 0 : i32
      %dma_wait3A_547 = tpu.memref_slice %arg6[%dma_wait3A_543, %dma_wait3A_545, %dma_wait3A_546] : memref<8x1x8192xf32, #tpu.memory_space<vmem>> -> memref<1x1x8192xf32, #tpu.memory_space<vmem>>
      %dma_wait3A_548 = tpu.memref_squeeze %dma_wait3A_547 : memref<1x1x8192xf32, #tpu.memory_space<vmem>> -> memref<1x8192xf32, #tpu.memory_space<vmem>>
      %dma_wait3A_549 = arith.constant 0 : i32
      %dma_wait3A_550 = tpu.memref_slice %arg4[%add3A_542, %dma_wait3A_549] : memref<4096x8192xf32, #tpu.memory_space<hbm>> -> memref<1x8192xf32, #tpu.memory_space<hbm>>
      %dma_wait3A_551 = tpu.memref_slice %arg8[%dma_wait3A_544] : memref<8x!tpu.dma_semaphore, #tpu.memory_space<semaphore_mem>> -> memref<1x!tpu.dma_semaphore, #tpu.memory_space<semaphore_mem>>
      %dma_wait3A_552 = tpu.memref_squeeze %dma_wait3A_551 : memref<1x!tpu.dma_semaphore, #tpu.memory_space<semaphore_mem>> -> memref<!tpu.dma_semaphore, #tpu.memory_space<semaphore_mem>>
      %dma_wait3A_553 = arith.constant 0 : i32
      %dma_wait3A_554 = tpu.memref_slice %arg4[%add3A_542, %dma_wait3A_553] : memref<4096x8192xf32, #tpu.memory_space<hbm>> -> memref<1x8192xf32, #tpu.memory_space<hbm>>
      %dma_wait3A_555 = arith.constant 0 : i32
      %dma_wait3A_556 = arith.constant 0 : i32
      %dma_wait3A_557 = tpu.memref_slice %arg6[%dma_wait3A_543, %dma_wait3A_555, %dma_wait3A_556] : memref<8x1x8192xf32, #tpu.memory_space<vmem>> -> memref<1x1x8192xf32, #tpu.memory_space<vmem>>
      %dma_wait3A_558 = tpu.memref_squeeze %dma_wait3A_557 : memref<1x1x8192xf32, #tpu.memory_space<vmem>> -> memref<1x8192xf32, #tpu.memory_space<vmem>>
      tpu.wait_dma2 semaphore(%dma_wait3A_552 : memref<!tpu.dma_semaphore, #tpu.memory_space<semaphore_mem>>) src(%dma_wait3A_558 : memref<1x8192xf32, #tpu.memory_space<vmem>>) dst(%dma_wait3A_554 : memref<1x8192xf32, #tpu.memory_space<hbm>>)
      %add3A_559 = arith.constant 0 : i32
      %add3A_560 = arith.addi %mul3A_536, %add3A_559 : i32
      %dma_start3A_561 = arith.constant 0 : i32
      %dma_start3A_562 = arith.constant 0 : i32
      %dma_start3A_563 = arith.constant 0 : i32
      %dma_start3A_564 = arith.constant 0 : i32
      %dma_start3A_565 = tpu.memref_slice %arg6[%dma_start3A_561, %dma_start3A_563, %dma_start3A_564] : memref<8x1x8192xf32, #tpu.memory_space<vmem>> -> memref<1x1x8192xf32, #tpu.memory_space<vmem>>
      %dma_start3A_566 = tpu.memref_squeeze %dma_start3A_565 : memref<1x1x8192xf32, #tpu.memory_space<vmem>> -> memref<1x8192xf32, #tpu.memory_space<vmem>>
      %dma_start3A_567 = arith.constant 0 : i32
      %dma_start3A_568 = tpu.memref_slice %arg5[%add3A_560, %dma_start3A_567] : memref<128x1xi32, #tpu.memory_space<vmem>> -> memref<1x1xi32, #tpu.memory_space<vmem>>
      %dma_start3A_569 = tpu.memref_squeeze %dma_start3A_568 : memref<1x1xi32, #tpu.memory_space<vmem>> -> memref<1xi32, #tpu.memory_space<vmem>>
      %dma_start3A_570 = arith.constant 0 : i32
      %dma_start3A_571 = arith.constant 0 : i32
      %dma_start3A_572 = tpu.memref_slice %arg2[%dma_start3A_570, %dma_start3A_571] : memref<8192x8192xf32, #tpu.memory_space<hbm>> -> memref<8192x8192xf32, #tpu.memory_space<hbm>>
      %dma_start3A_573 = tpu.memref_slice %arg7[%dma_start3A_562] : memref<8x!tpu.dma_semaphore, #tpu.memory_space<semaphore_mem>> -> memref<1x!tpu.dma_semaphore, #tpu.memory_space<semaphore_mem>>
      %dma_start3A_574 = tpu.memref_squeeze %dma_start3A_573 : memref<1x!tpu.dma_semaphore, #tpu.memory_space<semaphore_mem>> -> memref<!tpu.dma_semaphore, #tpu.memory_space<semaphore_mem>>
      tpu.enqueue_indirect_dma source(%dma_start3A_572 : memref<8192x8192xf32, #tpu.memory_space<hbm>>) target(%dma_start3A_566 : memref<1x8192xf32, #tpu.memory_space<vmem>>) offsets(%dma_start3A_569 : memref<1xi32, #tpu.memory_space<vmem>>) semaphore(%dma_start3A_574 : memref<!tpu.dma_semaphore, #tpu.memory_space<semaphore_mem>>)
      %add3A_575 = arith.constant 0 : i32
      %add3A_576 = arith.addi %mul3A_536, %add3A_575 : i32
      %sub3A_577 = arith.constant 6 : i32
      %sub3A_578 = arith.subi %add3A_576, %sub3A_577 : i32
      %dma_wait3A_579 = arith.constant 2 : i32
      %dma_wait3A_580 = arith.constant 2 : i32
      %dma_wait3A_581 = arith.constant 0 : i32
      %dma_wait3A_582 = arith.constant 0 : i32
      %dma_wait3A_583 = tpu.memref_slice %arg6[%dma_wait3A_579, %dma_wait3A_581, %dma_wait3A_582] : memref<8x1x8192xf32, #tpu.memory_space<vmem>> -> memref<1x1x8192xf32, #tpu.memory_space<vmem>>
      %dma_wait3A_584 = tpu.memref_squeeze %dma_wait3A_583 : memref<1x1x8192xf32, #tpu.memory_space<vmem>> -> memref<1x8192xf32, #tpu.memory_space<vmem>>
      %dma_wait3A_585 = arith.constant 0 : i32
      %dma_wait3A_586 = tpu.memref_slice %arg5[%sub3A_578, %dma_wait3A_585] : memref<128x1xi32, #tpu.memory_space<vmem>> -> memref<1x1xi32, #tpu.memory_space<vmem>>
      %dma_wait3A_587 = tpu.memref_squeeze %dma_wait3A_586 : memref<1x1xi32, #tpu.memory_space<vmem>> -> memref<1xi32, #tpu.memory_space<vmem>>
      %dma_wait3A_588 = arith.constant 0 : i32
      %dma_wait3A_589 = arith.constant 0 : i32
      %dma_wait3A_590 = tpu.memref_slice %arg2[%dma_wait3A_588, %dma_wait3A_589] : memref<8192x8192xf32, #tpu.memory_space<hbm>> -> memref<8192x8192xf32, #tpu.memory_space<hbm>>
      %dma_wait3A_591 = tpu.memref_slice %arg7[%dma_wait3A_580] : memref<8x!tpu.dma_semaphore, #tpu.memory_space<semaphore_mem>> -> memref<1x!tpu.dma_semaphore, #tpu.memory_space<semaphore_mem>>
      %dma_wait3A_592 = tpu.memref_squeeze %dma_wait3A_591 : memref<1x!tpu.dma_semaphore, #tpu.memory_space<semaphore_mem>> -> memref<!tpu.dma_semaphore, #tpu.memory_space<semaphore_mem>>
      tpu.wait_indirect_dma semaphore(%dma_wait3A_592 : memref<!tpu.dma_semaphore, #tpu.memory_space<semaphore_mem>>) src(%dma_wait3A_590 : memref<8192x8192xf32, #tpu.memory_space<hbm>>) dst(%dma_wait3A_584 : memref<1x8192xf32, #tpu.memory_space<vmem>>)
      %add3A_593 = arith.constant 0 : i32
      %add3A_594 = arith.addi %mul3A_536, %add3A_593 : i32
      %sub3A_595 = arith.constant 6 : i32
      %sub3A_596 = arith.subi %add3A_594, %sub3A_595 : i32
      %mul3A_597 = arith.constant 1 : i32
      %mul3A_598 = arith.muli %sub3A_596, %mul3A_597 : i32
      %add3A_599 = arith.addi %mul3A_2, %mul3A_598 : i32
      %dma_start3A_600 = arith.constant 2 : i32
      %dma_start3A_601 = arith.constant 2 : i32
      %dma_start3A_602 = arith.constant 0 : i32
      %dma_start3A_603 = arith.constant 0 : i32
      %dma_start3A_604 = tpu.memref_slice %arg6[%dma_start3A_600, %dma_start3A_602, %dma_start3A_603] : memref<8x1x8192xf32, #tpu.memory_space<vmem>> -> memref<1x1x8192xf32, #tpu.memory_space<vmem>>
      %dma_start3A_605 = tpu.memref_squeeze %dma_start3A_604 : memref<1x1x8192xf32, #tpu.memory_space<vmem>> -> memref<1x8192xf32, #tpu.memory_space<vmem>>
      %dma_start3A_606 = arith.constant 0 : i32
      %dma_start3A_607 = tpu.memref_slice %arg4[%add3A_599, %dma_start3A_606] : memref<4096x8192xf32, #tpu.memory_space<hbm>> -> memref<1x8192xf32, #tpu.memory_space<hbm>>
      %dma_start3A_608 = tpu.memref_slice %arg8[%dma_start3A_601] : memref<8x!tpu.dma_semaphore, #tpu.memory_space<semaphore_mem>> -> memref<1x!tpu.dma_semaphore, #tpu.memory_space<semaphore_mem>>
      %dma_start3A_609 = tpu.memref_squeeze %dma_start3A_608 : memref<1x!tpu.dma_semaphore, #tpu.memory_space<semaphore_mem>> -> memref<!tpu.dma_semaphore, #tpu.memory_space<semaphore_mem>>
      %dma_start3A_610 = arith.constant 0 : i32
      %dma_start3A_611 = tpu.memref_slice %arg4[%add3A_599, %dma_start3A_610] : memref<4096x8192xf32, #tpu.memory_space<hbm>> -> memref<1x8192xf32, #tpu.memory_space<hbm>>
      %dma_start3A_612 = arith.constant 0 : i32
      %dma_start3A_613 = arith.constant 0 : i32
      %dma_start3A_614 = tpu.memref_slice %arg6[%dma_start3A_600, %dma_start3A_612, %dma_start3A_613] : memref<8x1x8192xf32, #tpu.memory_space<vmem>> -> memref<1x1x8192xf32, #tpu.memory_space<vmem>>
      %dma_start3A_615 = tpu.memref_squeeze %dma_start3A_614 : memref<1x1x8192xf32, #tpu.memory_space<vmem>> -> memref<1x8192xf32, #tpu.memory_space<vmem>>
      tpu.enqueue_dma source(%dma_start3A_615 : memref<1x8192xf32, #tpu.memory_space<vmem>>) target(%dma_start3A_611 : memref<1x8192xf32, #tpu.memory_space<hbm>>) target_semaphore(%dma_start3A_609 : memref<!tpu.dma_semaphore, #tpu.memory_space<semaphore_mem>>)
      %add3A_616 = arith.constant 1 : i32
      %add3A_617 = arith.addi %mul3A_536, %add3A_616 : i32
      %sub3A_618 = arith.constant 8 : i32
      %sub3A_619 = arith.subi %add3A_617, %sub3A_618 : i32
      %mul3A_620 = arith.constant 1 : i32
      %mul3A_621 = arith.muli %sub3A_619, %mul3A_620 : i32
      %add3A_622 = arith.addi %mul3A_2, %mul3A_621 : i32
      %dma_wait3A_623 = arith.constant 1 : i32
      %dma_wait3A_624 = arith.constant 1 : i32
      %dma_wait3A_625 = arith.constant 0 : i32
      %dma_wait3A_626 = arith.constant 0 : i32
      %dma_wait3A_627 = tpu.memref_slice %arg6[%dma_wait3A_623, %dma_wait3A_625, %dma_wait3A_626] : memref<8x1x8192xf32, #tpu.memory_space<vmem>> -> memref<1x1x8192xf32, #tpu.memory_space<vmem>>
      %dma_wait3A_628 = tpu.memref_squeeze %dma_wait3A_627 : memref<1x1x8192xf32, #tpu.memory_space<vmem>> -> memref<1x8192xf32, #tpu.memory_space<vmem>>
      %dma_wait3A_629 = arith.constant 0 : i32
      %dma_wait3A_630 = tpu.memref_slice %arg4[%add3A_622, %dma_wait3A_629] : memref<4096x8192xf32, #tpu.memory_space<hbm>> -> memref<1x8192xf32, #tpu.memory_space<hbm>>
      %dma_wait3A_631 = tpu.memref_slice %arg8[%dma_wait3A_624] : memref<8x!tpu.dma_semaphore, #tpu.memory_space<semaphore_mem>> -> memref<1x!tpu.dma_semaphore, #tpu.memory_space<semaphore_mem>>
      %dma_wait3A_632 = tpu.memref_squeeze %dma_wait3A_631 : memref<1x!tpu.dma_semaphore, #tpu.memory_space<semaphore_mem>> -> memref<!tpu.dma_semaphore, #tpu.memory_space<semaphore_mem>>
      %dma_wait3A_633 = arith.constant 0 : i32
      %dma_wait3A_634 = tpu.memref_slice %arg4[%add3A_622, %dma_wait3A_633] : memref<4096x8192xf32, #tpu.memory_space<hbm>> -> memref<1x8192xf32, #tpu.memory_space<hbm>>
      %dma_wait3A_635 = arith.constant 0 : i32
      %dma_wait3A_636 = arith.constant 0 : i32
      %dma_wait3A_637 = tpu.memref_slice %arg6[%dma_wait3A_623, %dma_wait3A_635, %dma_wait3A_636] : memref<8x1x8192xf32, #tpu.memory_space<vmem>> -> memref<1x1x8192xf32, #tpu.memory_space<vmem>>
      %dma_wait3A_638 = tpu.memref_squeeze %dma_wait3A_637 : memref<1x1x8192xf32, #tpu.memory_space<vmem>> -> memref<1x8192xf32, #tpu.memory_space<vmem>>
      tpu.wait_dma2 semaphore(%dma_wait3A_632 : memref<!tpu.dma_semaphore, #tpu.memory_space<semaphore_mem>>) src(%dma_wait3A_638 : memref<1x8192xf32, #tpu.memory_space<vmem>>) dst(%dma_wait3A_634 : memref<1x8192xf32, #tpu.memory_space<hbm>>)
      %add3A_639 = arith.constant 1 : i32
      %add3A_640 = arith.addi %mul3A_536, %add3A_639 : i32
      %dma_start3A_641 = arith.constant 1 : i32
      %dma_start3A_642 = arith.constant 1 : i32
      %dma_start3A_643 = arith.constant 0 : i32
      %dma_start3A_644 = arith.constant 0 : i32
      %dma_start3A_645 = tpu.memref_slice %arg6[%dma_start3A_641, %dma_start3A_643, %dma_start3A_644] : memref<8x1x8192xf32, #tpu.memory_space<vmem>> -> memref<1x1x8192xf32, #tpu.memory_space<vmem>>
      %dma_start3A_646 = tpu.memref_squeeze %dma_start3A_645 : memref<1x1x8192xf32, #tpu.memory_space<vmem>> -> memref<1x8192xf32, #tpu.memory_space<vmem>>
      %dma_start3A_647 = arith.constant 0 : i32
      %dma_start3A_648 = tpu.memref_slice %arg5[%add3A_640, %dma_start3A_647] : memref<128x1xi32, #tpu.memory_space<vmem>> -> memref<1x1xi32, #tpu.memory_space<vmem>>
      %dma_start3A_649 = tpu.memref_squeeze %dma_start3A_648 : memref<1x1xi32, #tpu.memory_space<vmem>> -> memref<1xi32, #tpu.memory_space<vmem>>
      %dma_start3A_650 = arith.constant 0 : i32
      %dma_start3A_651 = arith.constant 0 : i32
      %dma_start3A_652 = tpu.memref_slice %arg2[%dma_start3A_650, %dma_start3A_651] : memref<8192x8192xf32, #tpu.memory_space<hbm>> -> memref<8192x8192xf32, #tpu.memory_space<hbm>>
      %dma_start3A_653 = tpu.memref_slice %arg7[%dma_start3A_642] : memref<8x!tpu.dma_semaphore, #tpu.memory_space<semaphore_mem>> -> memref<1x!tpu.dma_semaphore, #tpu.memory_space<semaphore_mem>>
      %dma_start3A_654 = tpu.memref_squeeze %dma_start3A_653 : memref<1x!tpu.dma_semaphore, #tpu.memory_space<semaphore_mem>> -> memref<!tpu.dma_semaphore, #tpu.memory_space<semaphore_mem>>
      tpu.enqueue_indirect_dma source(%dma_start3A_652 : memref<8192x8192xf32, #tpu.memory_space<hbm>>) target(%dma_start3A_646 : memref<1x8192xf32, #tpu.memory_space<vmem>>) offsets(%dma_start3A_649 : memref<1xi32, #tpu.memory_space<vmem>>) semaphore(%dma_start3A_654 : memref<!tpu.dma_semaphore, #tpu.memory_space<semaphore_mem>>)
      %add3A_655 = arith.constant 1 : i32
      %add3A_656 = arith.addi %mul3A_536, %add3A_655 : i32
      %sub3A_657 = arith.constant 6 : i32
      %sub3A_658 = arith.subi %add3A_656, %sub3A_657 : i32
      %dma_wait3A_659 = arith.constant 3 : i32
      %dma_wait3A_660 = arith.constant 3 : i32
      %dma_wait3A_661 = arith.constant 0 : i32
      %dma_wait3A_662 = arith.constant 0 : i32
      %dma_wait3A_663 = tpu.memref_slice %arg6[%dma_wait3A_659, %dma_wait3A_661, %dma_wait3A_662] : memref<8x1x8192xf32, #tpu.memory_space<vmem>> -> memref<1x1x8192xf32, #tpu.memory_space<vmem>>
      %dma_wait3A_664 = tpu.memref_squeeze %dma_wait3A_663 : memref<1x1x8192xf32, #tpu.memory_space<vmem>> -> memref<1x8192xf32, #tpu.memory_space<vmem>>
      %dma_wait3A_665 = arith.constant 0 : i32
      %dma_wait3A_666 = tpu.memref_slice %arg5[%sub3A_658, %dma_wait3A_665] : memref<128x1xi32, #tpu.memory_space<vmem>> -> memref<1x1xi32, #tpu.memory_space<vmem>>
      %dma_wait3A_667 = tpu.memref_squeeze %dma_wait3A_666 : memref<1x1xi32, #tpu.memory_space<vmem>> -> memref<1xi32, #tpu.memory_space<vmem>>
      %dma_wait3A_668 = arith.constant 0 : i32
      %dma_wait3A_669 = arith.constant 0 : i32
      %dma_wait3A_670 = tpu.memref_slice %arg2[%dma_wait3A_668, %dma_wait3A_669] : memref<8192x8192xf32, #tpu.memory_space<hbm>> -> memref<8192x8192xf32, #tpu.memory_space<hbm>>
      %dma_wait3A_671 = tpu.memref_slice %arg7[%dma_wait3A_660] : memref<8x!tpu.dma_semaphore, #tpu.memory_space<semaphore_mem>> -> memref<1x!tpu.dma_semaphore, #tpu.memory_space<semaphore_mem>>
      %dma_wait3A_672 = tpu.memref_squeeze %dma_wait3A_671 : memref<1x!tpu.dma_semaphore, #tpu.memory_space<semaphore_mem>> -> memref<!tpu.dma_semaphore, #tpu.memory_space<semaphore_mem>>
      tpu.wait_indirect_dma semaphore(%dma_wait3A_672 : memref<!tpu.dma_semaphore, #tpu.memory_space<semaphore_mem>>) src(%dma_wait3A_670 : memref<8192x8192xf32, #tpu.memory_space<hbm>>) dst(%dma_wait3A_664 : memref<1x8192xf32, #tpu.memory_space<vmem>>)
      %add3A_673 = arith.constant 1 : i32
      %add3A_674 = arith.addi %mul3A_536, %add3A_673 : i32
      %sub3A_675 = arith.constant 6 : i32
      %sub3A_676 = arith.subi %add3A_674, %sub3A_675 : i32
      %mul3A_677 = arith.constant 1 : i32
      %mul3A_678 = arith.muli %sub3A_676, %mul3A_677 : i32
      %add3A_679 = arith.addi %mul3A_2, %mul3A_678 : i32
      %dma_start3A_680 = arith.constant 3 : i32
      %dma_start3A_681 = arith.constant 3 : i32
      %dma_start3A_682 = arith.constant 0 : i32
      %dma_start3A_683 = arith.constant 0 : i32
      %dma_start3A_684 = tpu.memref_slice %arg6[%dma_start3A_680, %dma_start3A_682, %dma_start3A_683] : memref<8x1x8192xf32, #tpu.memory_space<vmem>> -> memref<1x1x8192xf32, #tpu.memory_space<vmem>>
      %dma_start3A_685 = tpu.memref_squeeze %dma_start3A_684 : memref<1x1x8192xf32, #tpu.memory_space<vmem>> -> memref<1x8192xf32, #tpu.memory_space<vmem>>
      %dma_start3A_686 = arith.constant 0 : i32
      %dma_start3A_687 = tpu.memref_slice %arg4[%add3A_679, %dma_start3A_686] : memref<4096x8192xf32, #tpu.memory_space<hbm>> -> memref<1x8192xf32, #tpu.memory_space<hbm>>
      %dma_start3A_688 = tpu.memref_slice %arg8[%dma_start3A_681] : memref<8x!tpu.dma_semaphore, #tpu.memory_space<semaphore_mem>> -> memref<1x!tpu.dma_semaphore, #tpu.memory_space<semaphore_mem>>
      %dma_start3A_689 = tpu.memref_squeeze %dma_start3A_688 : memref<1x!tpu.dma_semaphore, #tpu.memory_space<semaphore_mem>> -> memref<!tpu.dma_semaphore, #tpu.memory_space<semaphore_mem>>
      %dma_start3A_690 = arith.constant 0 : i32
      %dma_start3A_691 = tpu.memref_slice %arg4[%add3A_679, %dma_start3A_690] : memref<4096x8192xf32, #tpu.memory_space<hbm>> -> memref<1x8192xf32, #tpu.memory_space<hbm>>
      %dma_start3A_692 = arith.constant 0 : i32
      %dma_start3A_693 = arith.constant 0 : i32
      %dma_start3A_694 = tpu.memref_slice %arg6[%dma_start3A_680, %dma_start3A_692, %dma_start3A_693] : memref<8x1x8192xf32, #tpu.memory_space<vmem>> -> memref<1x1x8192xf32, #tpu.memory_space<vmem>>
      %dma_start3A_695 = tpu.memref_squeeze %dma_start3A_694 : memref<1x1x8192xf32, #tpu.memory_space<vmem>> -> memref<1x8192xf32, #tpu.memory_space<vmem>>
      tpu.enqueue_dma source(%dma_start3A_695 : memref<1x8192xf32, #tpu.memory_space<vmem>>) target(%dma_start3A_691 : memref<1x8192xf32, #tpu.memory_space<hbm>>) target_semaphore(%dma_start3A_689 : memref<!tpu.dma_semaphore, #tpu.memory_space<semaphore_mem>>)
      %add3A_696 = arith.constant 2 : i32
      %add3A_697 = arith.addi %mul3A_536, %add3A_696 : i32
      %sub3A_698 = arith.constant 8 : i32
      %sub3A_699 = arith.subi %add3A_697, %sub3A_698 : i32
      %mul3A_700 = arith.constant 1 : i32
      %mul3A_701 = arith.muli %sub3A_699, %mul3A_700 : i32
      %add3A_702 = arith.addi %mul3A_2, %mul3A_701 : i32
      %dma_wait3A_703 = arith.constant 2 : i32
      %dma_wait3A_704 = arith.constant 2 : i32
      %dma_wait3A_705 = arith.constant 0 : i32
      %dma_wait3A_706 = arith.constant 0 : i32
      %dma_wait3A_707 = tpu.memref_slice %arg6[%dma_wait3A_703, %dma_wait3A_705, %dma_wait3A_706] : memref<8x1x8192xf32, #tpu.memory_space<vmem>> -> memref<1x1x8192xf32, #tpu.memory_space<vmem>>
      %dma_wait3A_708 = tpu.memref_squeeze %dma_wait3A_707 : memref<1x1x8192xf32, #tpu.memory_space<vmem>> -> memref<1x8192xf32, #tpu.memory_space<vmem>>
      %dma_wait3A_709 = arith.constant 0 : i32
      %dma_wait3A_710 = tpu.memref_slice %arg4[%add3A_702, %dma_wait3A_709] : memref<4096x8192xf32, #tpu.memory_space<hbm>> -> memref<1x8192xf32, #tpu.memory_space<hbm>>
      %dma_wait3A_711 = tpu.memref_slice %arg8[%dma_wait3A_704] : memref<8x!tpu.dma_semaphore, #tpu.memory_space<semaphore_mem>> -> memref<1x!tpu.dma_semaphore, #tpu.memory_space<semaphore_mem>>
      %dma_wait3A_712 = tpu.memref_squeeze %dma_wait3A_711 : memref<1x!tpu.dma_semaphore, #tpu.memory_space<semaphore_mem>> -> memref<!tpu.dma_semaphore, #tpu.memory_space<semaphore_mem>>
      %dma_wait3A_713 = arith.constant 0 : i32
      %dma_wait3A_714 = tpu.memref_slice %arg4[%add3A_702, %dma_wait3A_713] : memref<4096x8192xf32, #tpu.memory_space<hbm>> -> memref<1x8192xf32, #tpu.memory_space<hbm>>
      %dma_wait3A_715 = arith.constant 0 : i32
      %dma_wait3A_716 = arith.constant 0 : i32
      %dma_wait3A_717 = tpu.memref_slice %arg6[%dma_wait3A_703, %dma_wait3A_715, %dma_wait3A_716] : memref<8x1x8192xf32, #tpu.memory_space<vmem>> -> memref<1x1x8192xf32, #tpu.memory_space<vmem>>
      %dma_wait3A_718 = tpu.memref_squeeze %dma_wait3A_717 : memref<1x1x8192xf32, #tpu.memory_space<vmem>> -> memref<1x8192xf32, #tpu.memory_space<vmem>>
      tpu.wait_dma2 semaphore(%dma_wait3A_712 : memref<!tpu.dma_semaphore, #tpu.memory_space<semaphore_mem>>) src(%dma_wait3A_718 : memref<1x8192xf32, #tpu.memory_space<vmem>>) dst(%dma_wait3A_714 : memref<1x8192xf32, #tpu.memory_space<hbm>>)
      %add3A_719 = arith.constant 2 : i32
      %add3A_720 = arith.addi %mul3A_536, %add3A_719 : i32
      %dma_start3A_721 = arith.constant 2 : i32
      %dma_start3A_722 = arith.constant 2 : i32
      %dma_start3A_723 = arith.constant 0 : i32
      %dma_start3A_724 = arith.constant 0 : i32
      %dma_start3A_725 = tpu.memref_slice %arg6[%dma_start3A_721, %dma_start3A_723, %dma_start3A_724] : memref<8x1x8192xf32, #tpu.memory_space<vmem>> -> memref<1x1x8192xf32, #tpu.memory_space<vmem>>
      %dma_start3A_726 = tpu.memref_squeeze %dma_start3A_725 : memref<1x1x8192xf32, #tpu.memory_space<vmem>> -> memref<1x8192xf32, #tpu.memory_space<vmem>>
      %dma_start3A_727 = arith.constant 0 : i32
      %dma_start3A_728 = tpu.memref_slice %arg5[%add3A_720, %dma_start3A_727] : memref<128x1xi32, #tpu.memory_space<vmem>> -> memref<1x1xi32, #tpu.memory_space<vmem>>
      %dma_start3A_729 = tpu.memref_squeeze %dma_start3A_728 : memref<1x1xi32, #tpu.memory_space<vmem>> -> memref<1xi32, #tpu.memory_space<vmem>>
      %dma_start3A_730 = arith.constant 0 : i32
      %dma_start3A_731 = arith.constant 0 : i32
      %dma_start3A_732 = tpu.memref_slice %arg2[%dma_start3A_730, %dma_start3A_731] : memref<8192x8192xf32, #tpu.memory_space<hbm>> -> memref<8192x8192xf32, #tpu.memory_space<hbm>>
      %dma_start3A_733 = tpu.memref_slice %arg7[%dma_start3A_722] : memref<8x!tpu.dma_semaphore, #tpu.memory_space<semaphore_mem>> -> memref<1x!tpu.dma_semaphore, #tpu.memory_space<semaphore_mem>>
      %dma_start3A_734 = tpu.memref_squeeze %dma_start3A_733 : memref<1x!tpu.dma_semaphore, #tpu.memory_space<semaphore_mem>> -> memref<!tpu.dma_semaphore, #tpu.memory_space<semaphore_mem>>
      tpu.enqueue_indirect_dma source(%dma_start3A_732 : memref<8192x8192xf32, #tpu.memory_space<hbm>>) target(%dma_start3A_726 : memref<1x8192xf32, #tpu.memory_space<vmem>>) offsets(%dma_start3A_729 : memref<1xi32, #tpu.memory_space<vmem>>) semaphore(%dma_start3A_734 : memref<!tpu.dma_semaphore, #tpu.memory_space<semaphore_mem>>)
      %add3A_735 = arith.constant 2 : i32
      %add3A_736 = arith.addi %mul3A_536, %add3A_735 : i32
      %sub3A_737 = arith.constant 6 : i32
      %sub3A_738 = arith.subi %add3A_736, %sub3A_737 : i32
      %dma_wait3A_739 = arith.constant 4 : i32
      %dma_wait3A_740 = arith.constant 4 : i32
      %dma_wait3A_741 = arith.constant 0 : i32
      %dma_wait3A_742 = arith.constant 0 : i32
      %dma_wait3A_743 = tpu.memref_slice %arg6[%dma_wait3A_739, %dma_wait3A_741, %dma_wait3A_742] : memref<8x1x8192xf32, #tpu.memory_space<vmem>> -> memref<1x1x8192xf32, #tpu.memory_space<vmem>>
      %dma_wait3A_744 = tpu.memref_squeeze %dma_wait3A_743 : memref<1x1x8192xf32, #tpu.memory_space<vmem>> -> memref<1x8192xf32, #tpu.memory_space<vmem>>
      %dma_wait3A_745 = arith.constant 0 : i32
      %dma_wait3A_746 = tpu.memref_slice %arg5[%sub3A_738, %dma_wait3A_745] : memref<128x1xi32, #tpu.memory_space<vmem>> -> memref<1x1xi32, #tpu.memory_space<vmem>>
      %dma_wait3A_747 = tpu.memref_squeeze %dma_wait3A_746 : memref<1x1xi32, #tpu.memory_space<vmem>> -> memref<1xi32, #tpu.memory_space<vmem>>
      %dma_wait3A_748 = arith.constant 0 : i32
      %dma_wait3A_749 = arith.constant 0 : i32
      %dma_wait3A_750 = tpu.memref_slice %arg2[%dma_wait3A_748, %dma_wait3A_749] : memref<8192x8192xf32, #tpu.memory_space<hbm>> -> memref<8192x8192xf32, #tpu.memory_space<hbm>>
      %dma_wait3A_751 = tpu.memref_slice %arg7[%dma_wait3A_740] : memref<8x!tpu.dma_semaphore, #tpu.memory_space<semaphore_mem>> -> memref<1x!tpu.dma_semaphore, #tpu.memory_space<semaphore_mem>>
      %dma_wait3A_752 = tpu.memref_squeeze %dma_wait3A_751 : memref<1x!tpu.dma_semaphore, #tpu.memory_space<semaphore_mem>> -> memref<!tpu.dma_semaphore, #tpu.memory_space<semaphore_mem>>
      tpu.wait_indirect_dma semaphore(%dma_wait3A_752 : memref<!tpu.dma_semaphore, #tpu.memory_space<semaphore_mem>>) src(%dma_wait3A_750 : memref<8192x8192xf32, #tpu.memory_space<hbm>>) dst(%dma_wait3A_744 : memref<1x8192xf32, #tpu.memory_space<vmem>>)
      %add3A_753 = arith.constant 2 : i32
      %add3A_754 = arith.addi %mul3A_536, %add3A_753 : i32
      %sub3A_755 = arith.constant 6 : i32
      %sub3A_756 = arith.subi %add3A_754, %sub3A_755 : i32
      %mul3A_757 = arith.constant 1 : i32
      %mul3A_758 = arith.muli %sub3A_756, %mul3A_757 : i32
      %add3A_759 = arith.addi %mul3A_2, %mul3A_758 : i32
      %dma_start3A_760 = arith.constant 4 : i32
      %dma_start3A_761 = arith.constant 4 : i32
      %dma_start3A_762 = arith.constant 0 : i32
      %dma_start3A_763 = arith.constant 0 : i32
      %dma_start3A_764 = tpu.memref_slice %arg6[%dma_start3A_760, %dma_start3A_762, %dma_start3A_763] : memref<8x1x8192xf32, #tpu.memory_space<vmem>> -> memref<1x1x8192xf32, #tpu.memory_space<vmem>>
      %dma_start3A_765 = tpu.memref_squeeze %dma_start3A_764 : memref<1x1x8192xf32, #tpu.memory_space<vmem>> -> memref<1x8192xf32, #tpu.memory_space<vmem>>
      %dma_start3A_766 = arith.constant 0 : i32
      %dma_start3A_767 = tpu.memref_slice %arg4[%add3A_759, %dma_start3A_766] : memref<4096x8192xf32, #tpu.memory_space<hbm>> -> memref<1x8192xf32, #tpu.memory_space<hbm>>
      %dma_start3A_768 = tpu.memref_slice %arg8[%dma_start3A_761] : memref<8x!tpu.dma_semaphore, #tpu.memory_space<semaphore_mem>> -> memref<1x!tpu.dma_semaphore, #tpu.memory_space<semaphore_mem>>
      %dma_start3A_769 = tpu.memref_squeeze %dma_start3A_768 : memref<1x!tpu.dma_semaphore, #tpu.memory_space<semaphore_mem>> -> memref<!tpu.dma_semaphore, #tpu.memory_space<semaphore_mem>>
      %dma_start3A_770 = arith.constant 0 : i32
      %dma_start3A_771 = tpu.memref_slice %arg4[%add3A_759, %dma_start3A_770] : memref<4096x8192xf32, #tpu.memory_space<hbm>> -> memref<1x8192xf32, #tpu.memory_space<hbm>>
      %dma_start3A_772 = arith.constant 0 : i32
      %dma_start3A_773 = arith.constant 0 : i32
      %dma_start3A_774 = tpu.memref_slice %arg6[%dma_start3A_760, %dma_start3A_772, %dma_start3A_773] : memref<8x1x8192xf32, #tpu.memory_space<vmem>> -> memref<1x1x8192xf32, #tpu.memory_space<vmem>>
      %dma_start3A_775 = tpu.memref_squeeze %dma_start3A_774 : memref<1x1x8192xf32, #tpu.memory_space<vmem>> -> memref<1x8192xf32, #tpu.memory_space<vmem>>
      tpu.enqueue_dma source(%dma_start3A_775 : memref<1x8192xf32, #tpu.memory_space<vmem>>) target(%dma_start3A_771 : memref<1x8192xf32, #tpu.memory_space<hbm>>) target_semaphore(%dma_start3A_769 : memref<!tpu.dma_semaphore, #tpu.memory_space<semaphore_mem>>)
      %add3A_776 = arith.constant 3 : i32
      %add3A_777 = arith.addi %mul3A_536, %add3A_776 : i32
      %sub3A_778 = arith.constant 8 : i32
      %sub3A_779 = arith.subi %add3A_777, %sub3A_778 : i32
      %mul3A_780 = arith.constant 1 : i32
      %mul3A_781 = arith.muli %sub3A_779, %mul3A_780 : i32
      %add3A_782 = arith.addi %mul3A_2, %mul3A_781 : i32
      %dma_wait3A_783 = arith.constant 3 : i32
      %dma_wait3A_784 = arith.constant 3 : i32
      %dma_wait3A_785 = arith.constant 0 : i32
      %dma_wait3A_786 = arith.constant 0 : i32
      %dma_wait3A_787 = tpu.memref_slice %arg6[%dma_wait3A_783, %dma_wait3A_785, %dma_wait3A_786] : memref<8x1x8192xf32, #tpu.memory_space<vmem>> -> memref<1x1x8192xf32, #tpu.memory_space<vmem>>
      %dma_wait3A_788 = tpu.memref_squeeze %dma_wait3A_787 : memref<1x1x8192xf32, #tpu.memory_space<vmem>> -> memref<1x8192xf32, #tpu.memory_space<vmem>>
      %dma_wait3A_789 = arith.constant 0 : i32
      %dma_wait3A_790 = tpu.memref_slice %arg4[%add3A_782, %dma_wait3A_789] : memref<4096x8192xf32, #tpu.memory_space<hbm>> -> memref<1x8192xf32, #tpu.memory_space<hbm>>
      %dma_wait3A_791 = tpu.memref_slice %arg8[%dma_wait3A_784] : memref<8x!tpu.dma_semaphore, #tpu.memory_space<semaphore_mem>> -> memref<1x!tpu.dma_semaphore, #tpu.memory_space<semaphore_mem>>
      %dma_wait3A_792 = tpu.memref_squeeze %dma_wait3A_791 : memref<1x!tpu.dma_semaphore, #tpu.memory_space<semaphore_mem>> -> memref<!tpu.dma_semaphore, #tpu.memory_space<semaphore_mem>>
      %dma_wait3A_793 = arith.constant 0 : i32
      %dma_wait3A_794 = tpu.memref_slice %arg4[%add3A_782, %dma_wait3A_793] : memref<4096x8192xf32, #tpu.memory_space<hbm>> -> memref<1x8192xf32, #tpu.memory_space<hbm>>
      %dma_wait3A_795 = arith.constant 0 : i32
      %dma_wait3A_796 = arith.constant 0 : i32
      %dma_wait3A_797 = tpu.memref_slice %arg6[%dma_wait3A_783, %dma_wait3A_795, %dma_wait3A_796] : memref<8x1x8192xf32, #tpu.memory_space<vmem>> -> memref<1x1x8192xf32, #tpu.memory_space<vmem>>
      %dma_wait3A_798 = tpu.memref_squeeze %dma_wait3A_797 : memref<1x1x8192xf32, #tpu.memory_space<vmem>> -> memref<1x8192xf32, #tpu.memory_space<vmem>>
      tpu.wait_dma2 semaphore(%dma_wait3A_792 : memref<!tpu.dma_semaphore, #tpu.memory_space<semaphore_mem>>) src(%dma_wait3A_798 : memref<1x8192xf32, #tpu.memory_space<vmem>>) dst(%dma_wait3A_794 : memref<1x8192xf32, #tpu.memory_space<hbm>>)
      %add3A_799 = arith.constant 3 : i32
      %add3A_800 = arith.addi %mul3A_536, %add3A_799 : i32
      %dma_start3A_801 = arith.constant 3 : i32
      %dma_start3A_802 = arith.constant 3 : i32
      %dma_start3A_803 = arith.constant 0 : i32
      %dma_start3A_804 = arith.constant 0 : i32
      %dma_start3A_805 = tpu.memref_slice %arg6[%dma_start3A_801, %dma_start3A_803, %dma_start3A_804] : memref<8x1x8192xf32, #tpu.memory_space<vmem>> -> memref<1x1x8192xf32, #tpu.memory_space<vmem>>
      %dma_start3A_806 = tpu.memref_squeeze %dma_start3A_805 : memref<1x1x8192xf32, #tpu.memory_space<vmem>> -> memref<1x8192xf32, #tpu.memory_space<vmem>>
      %dma_start3A_807 = arith.constant 0 : i32
      %dma_start3A_808 = tpu.memref_slice %arg5[%add3A_800, %dma_start3A_807] : memref<128x1xi32, #tpu.memory_space<vmem>> -> memref<1x1xi32, #tpu.memory_space<vmem>>
      %dma_start3A_809 = tpu.memref_squeeze %dma_start3A_808 : memref<1x1xi32, #tpu.memory_space<vmem>> -> memref<1xi32, #tpu.memory_space<vmem>>
      %dma_start3A_810 = arith.constant 0 : i32
      %dma_start3A_811 = arith.constant 0 : i32
      %dma_start3A_812 = tpu.memref_slice %arg2[%dma_start3A_810, %dma_start3A_811] : memref<8192x8192xf32, #tpu.memory_space<hbm>> -> memref<8192x8192xf32, #tpu.memory_space<hbm>>
      %dma_start3A_813 = tpu.memref_slice %arg7[%dma_start3A_802] : memref<8x!tpu.dma_semaphore, #tpu.memory_space<semaphore_mem>> -> memref<1x!tpu.dma_semaphore, #tpu.memory_space<semaphore_mem>>
      %dma_start3A_814 = tpu.memref_squeeze %dma_start3A_813 : memref<1x!tpu.dma_semaphore, #tpu.memory_space<semaphore_mem>> -> memref<!tpu.dma_semaphore, #tpu.memory_space<semaphore_mem>>
      tpu.enqueue_indirect_dma source(%dma_start3A_812 : memref<8192x8192xf32, #tpu.memory_space<hbm>>) target(%dma_start3A_806 : memref<1x8192xf32, #tpu.memory_space<vmem>>) offsets(%dma_start3A_809 : memref<1xi32, #tpu.memory_space<vmem>>) semaphore(%dma_start3A_814 : memref<!tpu.dma_semaphore, #tpu.memory_space<semaphore_mem>>)
      %add3A_815 = arith.constant 3 : i32
      %add3A_816 = arith.addi %mul3A_536, %add3A_815 : i32
      %sub3A_817 = arith.constant 6 : i32
      %sub3A_818 = arith.subi %add3A_816, %sub3A_817 : i32
      %dma_wait3A_819 = arith.constant 5 : i32
      %dma_wait3A_820 = arith.constant 5 : i32
      %dma_wait3A_821 = arith.constant 0 : i32
      %dma_wait3A_822 = arith.constant 0 : i32
      %dma_wait3A_823 = tpu.memref_slice %arg6[%dma_wait3A_819, %dma_wait3A_821, %dma_wait3A_822] : memref<8x1x8192xf32, #tpu.memory_space<vmem>> -> memref<1x1x8192xf32, #tpu.memory_space<vmem>>
      %dma_wait3A_824 = tpu.memref_squeeze %dma_wait3A_823 : memref<1x1x8192xf32, #tpu.memory_space<vmem>> -> memref<1x8192xf32, #tpu.memory_space<vmem>>
      %dma_wait3A_825 = arith.constant 0 : i32
      %dma_wait3A_826 = tpu.memref_slice %arg5[%sub3A_818, %dma_wait3A_825] : memref<128x1xi32, #tpu.memory_space<vmem>> -> memref<1x1xi32, #tpu.memory_space<vmem>>
      %dma_wait3A_827 = tpu.memref_squeeze %dma_wait3A_826 : memref<1x1xi32, #tpu.memory_space<vmem>> -> memref<1xi32, #tpu.memory_space<vmem>>
      %dma_wait3A_828 = arith.constant 0 : i32
      %dma_wait3A_829 = arith.constant 0 : i32
      %dma_wait3A_830 = tpu.memref_slice %arg2[%dma_wait3A_828, %dma_wait3A_829] : memref<8192x8192xf32, #tpu.memory_space<hbm>> -> memref<8192x8192xf32, #tpu.memory_space<hbm>>
      %dma_wait3A_831 = tpu.memref_slice %arg7[%dma_wait3A_820] : memref<8x!tpu.dma_semaphore, #tpu.memory_space<semaphore_mem>> -> memref<1x!tpu.dma_semaphore, #tpu.memory_space<semaphore_mem>>
      %dma_wait3A_832 = tpu.memref_squeeze %dma_wait3A_831 : memref<1x!tpu.dma_semaphore, #tpu.memory_space<semaphore_mem>> -> memref<!tpu.dma_semaphore, #tpu.memory_space<semaphore_mem>>
      tpu.wait_indirect_dma semaphore(%dma_wait3A_832 : memref<!tpu.dma_semaphore, #tpu.memory_space<semaphore_mem>>) src(%dma_wait3A_830 : memref<8192x8192xf32, #tpu.memory_space<hbm>>) dst(%dma_wait3A_824 : memref<1x8192xf32, #tpu.memory_space<vmem>>)
      %add3A_833 = arith.constant 3 : i32
      %add3A_834 = arith.addi %mul3A_536, %add3A_833 : i32
      %sub3A_835 = arith.constant 6 : i32
      %sub3A_836 = arith.subi %add3A_834, %sub3A_835 : i32
      %mul3A_837 = arith.constant 1 : i32
      %mul3A_838 = arith.muli %sub3A_836, %mul3A_837 : i32
      %add3A_839 = arith.addi %mul3A_2, %mul3A_838 : i32
      %dma_start3A_840 = arith.constant 5 : i32
      %dma_start3A_841 = arith.constant 5 : i32
      %dma_start3A_842 = arith.constant 0 : i32
      %dma_start3A_843 = arith.constant 0 : i32
      %dma_start3A_844 = tpu.memref_slice %arg6[%dma_start3A_840, %dma_start3A_842, %dma_start3A_843] : memref<8x1x8192xf32, #tpu.memory_space<vmem>> -> memref<1x1x8192xf32, #tpu.memory_space<vmem>>
      %dma_start3A_845 = tpu.memref_squeeze %dma_start3A_844 : memref<1x1x8192xf32, #tpu.memory_space<vmem>> -> memref<1x8192xf32, #tpu.memory_space<vmem>>
      %dma_start3A_846 = arith.constant 0 : i32
      %dma_start3A_847 = tpu.memref_slice %arg4[%add3A_839, %dma_start3A_846] : memref<4096x8192xf32, #tpu.memory_space<hbm>> -> memref<1x8192xf32, #tpu.memory_space<hbm>>
      %dma_start3A_848 = tpu.memref_slice %arg8[%dma_start3A_841] : memref<8x!tpu.dma_semaphore, #tpu.memory_space<semaphore_mem>> -> memref<1x!tpu.dma_semaphore, #tpu.memory_space<semaphore_mem>>
      %dma_start3A_849 = tpu.memref_squeeze %dma_start3A_848 : memref<1x!tpu.dma_semaphore, #tpu.memory_space<semaphore_mem>> -> memref<!tpu.dma_semaphore, #tpu.memory_space<semaphore_mem>>
      %dma_start3A_850 = arith.constant 0 : i32
      %dma_start3A_851 = tpu.memref_slice %arg4[%add3A_839, %dma_start3A_850] : memref<4096x8192xf32, #tpu.memory_space<hbm>> -> memref<1x8192xf32, #tpu.memory_space<hbm>>
      %dma_start3A_852 = arith.constant 0 : i32
      %dma_start3A_853 = arith.constant 0 : i32
      %dma_start3A_854 = tpu.memref_slice %arg6[%dma_start3A_840, %dma_start3A_852, %dma_start3A_853] : memref<8x1x8192xf32, #tpu.memory_space<vmem>> -> memref<1x1x8192xf32, #tpu.memory_space<vmem>>
      %dma_start3A_855 = tpu.memref_squeeze %dma_start3A_854 : memref<1x1x8192xf32, #tpu.memory_space<vmem>> -> memref<1x8192xf32, #tpu.memory_space<vmem>>
      tpu.enqueue_dma source(%dma_start3A_855 : memref<1x8192xf32, #tpu.memory_space<vmem>>) target(%dma_start3A_851 : memref<1x8192xf32, #tpu.memory_space<hbm>>) target_semaphore(%dma_start3A_849 : memref<!tpu.dma_semaphore, #tpu.memory_space<semaphore_mem>>)
      %add3A_856 = arith.constant 4 : i32
      %add3A_857 = arith.addi %mul3A_536, %add3A_856 : i32
      %sub3A_858 = arith.constant 8 : i32
      %sub3A_859 = arith.subi %add3A_857, %sub3A_858 : i32
      %mul3A_860 = arith.constant 1 : i32
      %mul3A_861 = arith.muli %sub3A_859, %mul3A_860 : i32
      %add3A_862 = arith.addi %mul3A_2, %mul3A_861 : i32
      %dma_wait3A_863 = arith.constant 4 : i32
      %dma_wait3A_864 = arith.constant 4 : i32
      %dma_wait3A_865 = arith.constant 0 : i32
      %dma_wait3A_866 = arith.constant 0 : i32
      %dma_wait3A_867 = tpu.memref_slice %arg6[%dma_wait3A_863, %dma_wait3A_865, %dma_wait3A_866] : memref<8x1x8192xf32, #tpu.memory_space<vmem>> -> memref<1x1x8192xf32, #tpu.memory_space<vmem>>
      %dma_wait3A_868 = tpu.memref_squeeze %dma_wait3A_867 : memref<1x1x8192xf32, #tpu.memory_space<vmem>> -> memref<1x8192xf32, #tpu.memory_space<vmem>>
      %dma_wait3A_869 = arith.constant 0 : i32
      %dma_wait3A_870 = tpu.memref_slice %arg4[%add3A_862, %dma_wait3A_869] : memref<4096x8192xf32, #tpu.memory_space<hbm>> -> memref<1x8192xf32, #tpu.memory_space<hbm>>
      %dma_wait3A_871 = tpu.memref_slice %arg8[%dma_wait3A_864] : memref<8x!tpu.dma_semaphore, #tpu.memory_space<semaphore_mem>> -> memref<1x!tpu.dma_semaphore, #tpu.memory_space<semaphore_mem>>
      %dma_wait3A_872 = tpu.memref_squeeze %dma_wait3A_871 : memref<1x!tpu.dma_semaphore, #tpu.memory_space<semaphore_mem>> -> memref<!tpu.dma_semaphore, #tpu.memory_space<semaphore_mem>>
      %dma_wait3A_873 = arith.constant 0 : i32
      %dma_wait3A_874 = tpu.memref_slice %arg4[%add3A_862, %dma_wait3A_873] : memref<4096x8192xf32, #tpu.memory_space<hbm>> -> memref<1x8192xf32, #tpu.memory_space<hbm>>
      %dma_wait3A_875 = arith.constant 0 : i32
      %dma_wait3A_876 = arith.constant 0 : i32
      %dma_wait3A_877 = tpu.memref_slice %arg6[%dma_wait3A_863, %dma_wait3A_875, %dma_wait3A_876] : memref<8x1x8192xf32, #tpu.memory_space<vmem>> -> memref<1x1x8192xf32, #tpu.memory_space<vmem>>
      %dma_wait3A_878 = tpu.memref_squeeze %dma_wait3A_877 : memref<1x1x8192xf32, #tpu.memory_space<vmem>> -> memref<1x8192xf32, #tpu.memory_space<vmem>>
      tpu.wait_dma2 semaphore(%dma_wait3A_872 : memref<!tpu.dma_semaphore, #tpu.memory_space<semaphore_mem>>) src(%dma_wait3A_878 : memref<1x8192xf32, #tpu.memory_space<vmem>>) dst(%dma_wait3A_874 : memref<1x8192xf32, #tpu.memory_space<hbm>>)
      %add3A_879 = arith.constant 4 : i32
      %add3A_880 = arith.addi %mul3A_536, %add3A_879 : i32
      %dma_start3A_881 = arith.constant 4 : i32
      %dma_start3A_882 = arith.constant 4 : i32
      %dma_start3A_883 = arith.constant 0 : i32
      %dma_start3A_884 = arith.constant 0 : i32
      %dma_start3A_885 = tpu.memref_slice %arg6[%dma_start3A_881, %dma_start3A_883, %dma_start3A_884] : memref<8x1x8192xf32, #tpu.memory_space<vmem>> -> memref<1x1x8192xf32, #tpu.memory_space<vmem>>
      %dma_start3A_886 = tpu.memref_squeeze %dma_start3A_885 : memref<1x1x8192xf32, #tpu.memory_space<vmem>> -> memref<1x8192xf32, #tpu.memory_space<vmem>>
      %dma_start3A_887 = arith.constant 0 : i32
      %dma_start3A_888 = tpu.memref_slice %arg5[%add3A_880, %dma_start3A_887] : memref<128x1xi32, #tpu.memory_space<vmem>> -> memref<1x1xi32, #tpu.memory_space<vmem>>
      %dma_start3A_889 = tpu.memref_squeeze %dma_start3A_888 : memref<1x1xi32, #tpu.memory_space<vmem>> -> memref<1xi32, #tpu.memory_space<vmem>>
      %dma_start3A_890 = arith.constant 0 : i32
      %dma_start3A_891 = arith.constant 0 : i32
      %dma_start3A_892 = tpu.memref_slice %arg2[%dma_start3A_890, %dma_start3A_891] : memref<8192x8192xf32, #tpu.memory_space<hbm>> -> memref<8192x8192xf32, #tpu.memory_space<hbm>>
      %dma_start3A_893 = tpu.memref_slice %arg7[%dma_start3A_882] : memref<8x!tpu.dma_semaphore, #tpu.memory_space<semaphore_mem>> -> memref<1x!tpu.dma_semaphore, #tpu.memory_space<semaphore_mem>>
      %dma_start3A_894 = tpu.memref_squeeze %dma_start3A_893 : memref<1x!tpu.dma_semaphore, #tpu.memory_space<semaphore_mem>> -> memref<!tpu.dma_semaphore, #tpu.memory_space<semaphore_mem>>
      tpu.enqueue_indirect_dma source(%dma_start3A_892 : memref<8192x8192xf32, #tpu.memory_space<hbm>>) target(%dma_start3A_886 : memref<1x8192xf32, #tpu.memory_space<vmem>>) offsets(%dma_start3A_889 : memref<1xi32, #tpu.memory_space<vmem>>) semaphore(%dma_start3A_894 : memref<!tpu.dma_semaphore, #tpu.memory_space<semaphore_mem>>)
      %add3A_895 = arith.constant 4 : i32
      %add3A_896 = arith.addi %mul3A_536, %add3A_895 : i32
      %sub3A_897 = arith.constant 6 : i32
      %sub3A_898 = arith.subi %add3A_896, %sub3A_897 : i32
      %dma_wait3A_899 = arith.constant 6 : i32
      %dma_wait3A_900 = arith.constant 6 : i32
      %dma_wait3A_901 = arith.constant 0 : i32
      %dma_wait3A_902 = arith.constant 0 : i32
      %dma_wait3A_903 = tpu.memref_slice %arg6[%dma_wait3A_899, %dma_wait3A_901, %dma_wait3A_902] : memref<8x1x8192xf32, #tpu.memory_space<vmem>> -> memref<1x1x8192xf32, #tpu.memory_space<vmem>>
      %dma_wait3A_904 = tpu.memref_squeeze %dma_wait3A_903 : memref<1x1x8192xf32, #tpu.memory_space<vmem>> -> memref<1x8192xf32, #tpu.memory_space<vmem>>
      %dma_wait3A_905 = arith.constant 0 : i32
      %dma_wait3A_906 = tpu.memref_slice %arg5[%sub3A_898, %dma_wait3A_905] : memref<128x1xi32, #tpu.memory_space<vmem>> -> memref<1x1xi32, #tpu.memory_space<vmem>>
      %dma_wait3A_907 = tpu.memref_squeeze %dma_wait3A_906 : memref<1x1xi32, #tpu.memory_space<vmem>> -> memref<1xi32, #tpu.memory_space<vmem>>
      %dma_wait3A_908 = arith.constant 0 : i32
      %dma_wait3A_909 = arith.constant 0 : i32
      %dma_wait3A_910 = tpu.memref_slice %arg2[%dma_wait3A_908, %dma_wait3A_909] : memref<8192x8192xf32, #tpu.memory_space<hbm>> -> memref<8192x8192xf32, #tpu.memory_space<hbm>>
      %dma_wait3A_911 = tpu.memref_slice %arg7[%dma_wait3A_900] : memref<8x!tpu.dma_semaphore, #tpu.memory_space<semaphore_mem>> -> memref<1x!tpu.dma_semaphore, #tpu.memory_space<semaphore_mem>>
      %dma_wait3A_912 = tpu.memref_squeeze %dma_wait3A_911 : memref<1x!tpu.dma_semaphore, #tpu.memory_space<semaphore_mem>> -> memref<!tpu.dma_semaphore, #tpu.memory_space<semaphore_mem>>
      tpu.wait_indirect_dma semaphore(%dma_wait3A_912 : memref<!tpu.dma_semaphore, #tpu.memory_space<semaphore_mem>>) src(%dma_wait3A_910 : memref<8192x8192xf32, #tpu.memory_space<hbm>>) dst(%dma_wait3A_904 : memref<1x8192xf32, #tpu.memory_space<vmem>>)
      %add3A_913 = arith.constant 4 : i32
      %add3A_914 = arith.addi %mul3A_536, %add3A_913 : i32
      %sub3A_915 = arith.constant 6 : i32
      %sub3A_916 = arith.subi %add3A_914, %sub3A_915 : i32
      %mul3A_917 = arith.constant 1 : i32
      %mul3A_918 = arith.muli %sub3A_916, %mul3A_917 : i32
      %add3A_919 = arith.addi %mul3A_2, %mul3A_918 : i32
      %dma_start3A_920 = arith.constant 6 : i32
      %dma_start3A_921 = arith.constant 6 : i32
      %dma_start3A_922 = arith.constant 0 : i32
      %dma_start3A_923 = arith.constant 0 : i32
      %dma_start3A_924 = tpu.memref_slice %arg6[%dma_start3A_920, %dma_start3A_922, %dma_start3A_923] : memref<8x1x8192xf32, #tpu.memory_space<vmem>> -> memref<1x1x8192xf32, #tpu.memory_space<vmem>>
      %dma_start3A_925 = tpu.memref_squeeze %dma_start3A_924 : memref<1x1x8192xf32, #tpu.memory_space<vmem>> -> memref<1x8192xf32, #tpu.memory_space<vmem>>
      %dma_start3A_926 = arith.constant 0 : i32
      %dma_start3A_927 = tpu.memref_slice %arg4[%add3A_919, %dma_start3A_926] : memref<4096x8192xf32, #tpu.memory_space<hbm>> -> memref<1x8192xf32, #tpu.memory_space<hbm>>
      %dma_start3A_928 = tpu.memref_slice %arg8[%dma_start3A_921] : memref<8x!tpu.dma_semaphore, #tpu.memory_space<semaphore_mem>> -> memref<1x!tpu.dma_semaphore, #tpu.memory_space<semaphore_mem>>
      %dma_start3A_929 = tpu.memref_squeeze %dma_start3A_928 : memref<1x!tpu.dma_semaphore, #tpu.memory_space<semaphore_mem>> -> memref<!tpu.dma_semaphore, #tpu.memory_space<semaphore_mem>>
      %dma_start3A_930 = arith.constant 0 : i32
      %dma_start3A_931 = tpu.memref_slice %arg4[%add3A_919, %dma_start3A_930] : memref<4096x8192xf32, #tpu.memory_space<hbm>> -> memref<1x8192xf32, #tpu.memory_space<hbm>>
      %dma_start3A_932 = arith.constant 0 : i32
      %dma_start3A_933 = arith.constant 0 : i32
      %dma_start3A_934 = tpu.memref_slice %arg6[%dma_start3A_920, %dma_start3A_932, %dma_start3A_933] : memref<8x1x8192xf32, #tpu.memory_space<vmem>> -> memref<1x1x8192xf32, #tpu.memory_space<vmem>>
      %dma_start3A_935 = tpu.memref_squeeze %dma_start3A_934 : memref<1x1x8192xf32, #tpu.memory_space<vmem>> -> memref<1x8192xf32, #tpu.memory_space<vmem>>
      tpu.enqueue_dma source(%dma_start3A_935 : memref<1x8192xf32, #tpu.memory_space<vmem>>) target(%dma_start3A_931 : memref<1x8192xf32, #tpu.memory_space<hbm>>) target_semaphore(%dma_start3A_929 : memref<!tpu.dma_semaphore, #tpu.memory_space<semaphore_mem>>)
      %add3A_936 = arith.constant 5 : i32
      %add3A_937 = arith.addi %mul3A_536, %add3A_936 : i32
      %sub3A_938 = arith.constant 8 : i32
      %sub3A_939 = arith.subi %add3A_937, %sub3A_938 : i32
      %mul3A_940 = arith.constant 1 : i32
      %mul3A_941 = arith.muli %sub3A_939, %mul3A_940 : i32
      %add3A_942 = arith.addi %mul3A_2, %mul3A_941 : i32
      %dma_wait3A_943 = arith.constant 5 : i32
      %dma_wait3A_944 = arith.constant 5 : i32
      %dma_wait3A_945 = arith.constant 0 : i32
      %dma_wait3A_946 = arith.constant 0 : i32
      %dma_wait3A_947 = tpu.memref_slice %arg6[%dma_wait3A_943, %dma_wait3A_945, %dma_wait3A_946] : memref<8x1x8192xf32, #tpu.memory_space<vmem>> -> memref<1x1x8192xf32, #tpu.memory_space<vmem>>
      %dma_wait3A_948 = tpu.memref_squeeze %dma_wait3A_947 : memref<1x1x8192xf32, #tpu.memory_space<vmem>> -> memref<1x8192xf32, #tpu.memory_space<vmem>>
      %dma_wait3A_949 = arith.constant 0 : i32
      %dma_wait3A_950 = tpu.memref_slice %arg4[%add3A_942, %dma_wait3A_949] : memref<4096x8192xf32, #tpu.memory_space<hbm>> -> memref<1x8192xf32, #tpu.memory_space<hbm>>
      %dma_wait3A_951 = tpu.memref_slice %arg8[%dma_wait3A_944] : memref<8x!tpu.dma_semaphore, #tpu.memory_space<semaphore_mem>> -> memref<1x!tpu.dma_semaphore, #tpu.memory_space<semaphore_mem>>
      %dma_wait3A_952 = tpu.memref_squeeze %dma_wait3A_951 : memref<1x!tpu.dma_semaphore, #tpu.memory_space<semaphore_mem>> -> memref<!tpu.dma_semaphore, #tpu.memory_space<semaphore_mem>>
      %dma_wait3A_953 = arith.constant 0 : i32
      %dma_wait3A_954 = tpu.memref_slice %arg4[%add3A_942, %dma_wait3A_953] : memref<4096x8192xf32, #tpu.memory_space<hbm>> -> memref<1x8192xf32, #tpu.memory_space<hbm>>
      %dma_wait3A_955 = arith.constant 0 : i32
      %dma_wait3A_956 = arith.constant 0 : i32
      %dma_wait3A_957 = tpu.memref_slice %arg6[%dma_wait3A_943, %dma_wait3A_955, %dma_wait3A_956] : memref<8x1x8192xf32, #tpu.memory_space<vmem>> -> memref<1x1x8192xf32, #tpu.memory_space<vmem>>
      %dma_wait3A_958 = tpu.memref_squeeze %dma_wait3A_957 : memref<1x1x8192xf32, #tpu.memory_space<vmem>> -> memref<1x8192xf32, #tpu.memory_space<vmem>>
      tpu.wait_dma2 semaphore(%dma_wait3A_952 : memref<!tpu.dma_semaphore, #tpu.memory_space<semaphore_mem>>) src(%dma_wait3A_958 : memref<1x8192xf32, #tpu.memory_space<vmem>>) dst(%dma_wait3A_954 : memref<1x8192xf32, #tpu.memory_space<hbm>>)
      %add3A_959 = arith.constant 5 : i32
      %add3A_960 = arith.addi %mul3A_536, %add3A_959 : i32
      %dma_start3A_961 = arith.constant 5 : i32
      %dma_start3A_962 = arith.constant 5 : i32
      %dma_start3A_963 = arith.constant 0 : i32
      %dma_start3A_964 = arith.constant 0 : i32
      %dma_start3A_965 = tpu.memref_slice %arg6[%dma_start3A_961, %dma_start3A_963, %dma_start3A_964] : memref<8x1x8192xf32, #tpu.memory_space<vmem>> -> memref<1x1x8192xf32, #tpu.memory_space<vmem>>
      %dma_start3A_966 = tpu.memref_squeeze %dma_start3A_965 : memref<1x1x8192xf32, #tpu.memory_space<vmem>> -> memref<1x8192xf32, #tpu.memory_space<vmem>>
      %dma_start3A_967 = arith.constant 0 : i32
      %dma_start3A_968 = tpu.memref_slice %arg5[%add3A_960, %dma_start3A_967] : memref<128x1xi32, #tpu.memory_space<vmem>> -> memref<1x1xi32, #tpu.memory_space<vmem>>
      %dma_start3A_969 = tpu.memref_squeeze %dma_start3A_968 : memref<1x1xi32, #tpu.memory_space<vmem>> -> memref<1xi32, #tpu.memory_space<vmem>>
      %dma_start3A_970 = arith.constant 0 : i32
      %dma_start3A_971 = arith.constant 0 : i32
      %dma_start3A_972 = tpu.memref_slice %arg2[%dma_start3A_970, %dma_start3A_971] : memref<8192x8192xf32, #tpu.memory_space<hbm>> -> memref<8192x8192xf32, #tpu.memory_space<hbm>>
      %dma_start3A_973 = tpu.memref_slice %arg7[%dma_start3A_962] : memref<8x!tpu.dma_semaphore, #tpu.memory_space<semaphore_mem>> -> memref<1x!tpu.dma_semaphore, #tpu.memory_space<semaphore_mem>>
      %dma_start3A_974 = tpu.memref_squeeze %dma_start3A_973 : memref<1x!tpu.dma_semaphore, #tpu.memory_space<semaphore_mem>> -> memref<!tpu.dma_semaphore, #tpu.memory_space<semaphore_mem>>
      tpu.enqueue_indirect_dma source(%dma_start3A_972 : memref<8192x8192xf32, #tpu.memory_space<hbm>>) target(%dma_start3A_966 : memref<1x8192xf32, #tpu.memory_space<vmem>>) offsets(%dma_start3A_969 : memref<1xi32, #tpu.memory_space<vmem>>) semaphore(%dma_start3A_974 : memref<!tpu.dma_semaphore, #tpu.memory_space<semaphore_mem>>)
      %add3A_975 = arith.constant 5 : i32
      %add3A_976 = arith.addi %mul3A_536, %add3A_975 : i32
      %sub3A_977 = arith.constant 6 : i32
      %sub3A_978 = arith.subi %add3A_976, %sub3A_977 : i32
      %dma_wait3A_979 = arith.constant 7 : i32
      %dma_wait3A_980 = arith.constant 7 : i32
      %dma_wait3A_981 = arith.constant 0 : i32
      %dma_wait3A_982 = arith.constant 0 : i32
      %dma_wait3A_983 = tpu.memref_slice %arg6[%dma_wait3A_979, %dma_wait3A_981, %dma_wait3A_982] : memref<8x1x8192xf32, #tpu.memory_space<vmem>> -> memref<1x1x8192xf32, #tpu.memory_space<vmem>>
      %dma_wait3A_984 = tpu.memref_squeeze %dma_wait3A_983 : memref<1x1x8192xf32, #tpu.memory_space<vmem>> -> memref<1x8192xf32, #tpu.memory_space<vmem>>
      %dma_wait3A_985 = arith.constant 0 : i32
      %dma_wait3A_986 = tpu.memref_slice %arg5[%sub3A_978, %dma_wait3A_985] : memref<128x1xi32, #tpu.memory_space<vmem>> -> memref<1x1xi32, #tpu.memory_space<vmem>>
      %dma_wait3A_987 = tpu.memref_squeeze %dma_wait3A_986 : memref<1x1xi32, #tpu.memory_space<vmem>> -> memref<1xi32, #tpu.memory_space<vmem>>
      %dma_wait3A_988 = arith.constant 0 : i32
      %dma_wait3A_989 = arith.constant 0 : i32
      %dma_wait3A_990 = tpu.memref_slice %arg2[%dma_wait3A_988, %dma_wait3A_989] : memref<8192x8192xf32, #tpu.memory_space<hbm>> -> memref<8192x8192xf32, #tpu.memory_space<hbm>>
      %dma_wait3A_991 = tpu.memref_slice %arg7[%dma_wait3A_980] : memref<8x!tpu.dma_semaphore, #tpu.memory_space<semaphore_mem>> -> memref<1x!tpu.dma_semaphore, #tpu.memory_space<semaphore_mem>>
      %dma_wait3A_992 = tpu.memref_squeeze %dma_wait3A_991 : memref<1x!tpu.dma_semaphore, #tpu.memory_space<semaphore_mem>> -> memref<!tpu.dma_semaphore, #tpu.memory_space<semaphore_mem>>
      tpu.wait_indirect_dma semaphore(%dma_wait3A_992 : memref<!tpu.dma_semaphore, #tpu.memory_space<semaphore_mem>>) src(%dma_wait3A_990 : memref<8192x8192xf32, #tpu.memory_space<hbm>>) dst(%dma_wait3A_984 : memref<1x8192xf32, #tpu.memory_space<vmem>>)
      %add3A_993 = arith.constant 5 : i32
      %add3A_994 = arith.addi %mul3A_536, %add3A_993 : i32
      %sub3A_995 = arith.constant 6 : i32
      %sub3A_996 = arith.subi %add3A_994, %sub3A_995 : i32
      %mul3A_997 = arith.constant 1 : i32
      %mul3A_998 = arith.muli %sub3A_996, %mul3A_997 : i32
      %add3A_999 = arith.addi %mul3A_2, %mul3A_998 : i32
      %dma_start3A_1000 = arith.constant 7 : i32
      %dma_start3A_1001 = arith.constant 7 : i32
      %dma_start3A_1002 = arith.constant 0 : i32
      %dma_start3A_1003 = arith.constant 0 : i32
      %dma_start3A_1004 = tpu.memref_slice %arg6[%dma_start3A_1000, %dma_start3A_1002, %dma_start3A_1003] : memref<8x1x8192xf32, #tpu.memory_space<vmem>> -> memref<1x1x8192xf32, #tpu.memory_space<vmem>>
      %dma_start3A_1005 = tpu.memref_squeeze %dma_start3A_1004 : memref<1x1x8192xf32, #tpu.memory_space<vmem>> -> memref<1x8192xf32, #tpu.memory_space<vmem>>
      %dma_start3A_1006 = arith.constant 0 : i32
      %dma_start3A_1007 = tpu.memref_slice %arg4[%add3A_999, %dma_start3A_1006] : memref<4096x8192xf32, #tpu.memory_space<hbm>> -> memref<1x8192xf32, #tpu.memory_space<hbm>>
      %dma_start3A_1008 = tpu.memref_slice %arg8[%dma_start3A_1001] : memref<8x!tpu.dma_semaphore, #tpu.memory_space<semaphore_mem>> -> memref<1x!tpu.dma_semaphore, #tpu.memory_space<semaphore_mem>>
      %dma_start3A_1009 = tpu.memref_squeeze %dma_start3A_1008 : memref<1x!tpu.dma_semaphore, #tpu.memory_space<semaphore_mem>> -> memref<!tpu.dma_semaphore, #tpu.memory_space<semaphore_mem>>
      %dma_start3A_1010 = arith.constant 0 : i32
      %dma_start3A_1011 = tpu.memref_slice %arg4[%add3A_999, %dma_start3A_1010] : memref<4096x8192xf32, #tpu.memory_space<hbm>> -> memref<1x8192xf32, #tpu.memory_space<hbm>>
      %dma_start3A_1012 = arith.constant 0 : i32
      %dma_start3A_1013 = arith.constant 0 : i32
      %dma_start3A_1014 = tpu.memref_slice %arg6[%dma_start3A_1000, %dma_start3A_1012, %dma_start3A_1013] : memref<8x1x8192xf32, #tpu.memory_space<vmem>> -> memref<1x1x8192xf32, #tpu.memory_space<vmem>>
      %dma_start3A_1015 = tpu.memref_squeeze %dma_start3A_1014 : memref<1x1x8192xf32, #tpu.memory_space<vmem>> -> memref<1x8192xf32, #tpu.memory_space<vmem>>
      tpu.enqueue_dma source(%dma_start3A_1015 : memref<1x8192xf32, #tpu.memory_space<vmem>>) target(%dma_start3A_1011 : memref<1x8192xf32, #tpu.memory_space<hbm>>) target_semaphore(%dma_start3A_1009 : memref<!tpu.dma_semaphore, #tpu.memory_space<semaphore_mem>>)
      %add3A_1016 = arith.constant 6 : i32
      %add3A_1017 = arith.addi %mul3A_536, %add3A_1016 : i32
      %sub3A_1018 = arith.constant 8 : i32
      %sub3A_1019 = arith.subi %add3A_1017, %sub3A_1018 : i32
      %mul3A_1020 = arith.constant 1 : i32
      %mul3A_1021 = arith.muli %sub3A_1019, %mul3A_1020 : i32
      %add3A_1022 = arith.addi %mul3A_2, %mul3A_1021 : i32
      %dma_wait3A_1023 = arith.constant 6 : i32
      %dma_wait3A_1024 = arith.constant 6 : i32
      %dma_wait3A_1025 = arith.constant 0 : i32
      %dma_wait3A_1026 = arith.constant 0 : i32
      %dma_wait3A_1027 = tpu.memref_slice %arg6[%dma_wait3A_1023, %dma_wait3A_1025, %dma_wait3A_1026] : memref<8x1x8192xf32, #tpu.memory_space<vmem>> -> memref<1x1x8192xf32, #tpu.memory_space<vmem>>
      %dma_wait3A_1028 = tpu.memref_squeeze %dma_wait3A_1027 : memref<1x1x8192xf32, #tpu.memory_space<vmem>> -> memref<1x8192xf32, #tpu.memory_space<vmem>>
      %dma_wait3A_1029 = arith.constant 0 : i32
      %dma_wait3A_1030 = tpu.memref_slice %arg4[%add3A_1022, %dma_wait3A_1029] : memref<4096x8192xf32, #tpu.memory_space<hbm>> -> memref<1x8192xf32, #tpu.memory_space<hbm>>
      %dma_wait3A_1031 = tpu.memref_slice %arg8[%dma_wait3A_1024] : memref<8x!tpu.dma_semaphore, #tpu.memory_space<semaphore_mem>> -> memref<1x!tpu.dma_semaphore, #tpu.memory_space<semaphore_mem>>
      %dma_wait3A_1032 = tpu.memref_squeeze %dma_wait3A_1031 : memref<1x!tpu.dma_semaphore, #tpu.memory_space<semaphore_mem>> -> memref<!tpu.dma_semaphore, #tpu.memory_space<semaphore_mem>>
      %dma_wait3A_1033 = arith.constant 0 : i32
      %dma_wait3A_1034 = tpu.memref_slice %arg4[%add3A_1022, %dma_wait3A_1033] : memref<4096x8192xf32, #tpu.memory_space<hbm>> -> memref<1x8192xf32, #tpu.memory_space<hbm>>
      %dma_wait3A_1035 = arith.constant 0 : i32
      %dma_wait3A_1036 = arith.constant 0 : i32
      %dma_wait3A_1037 = tpu.memref_slice %arg6[%dma_wait3A_1023, %dma_wait3A_1035, %dma_wait3A_1036] : memref<8x1x8192xf32, #tpu.memory_space<vmem>> -> memref<1x1x8192xf32, #tpu.memory_space<vmem>>
      %dma_wait3A_1038 = tpu.memref_squeeze %dma_wait3A_1037 : memref<1x1x8192xf32, #tpu.memory_space<vmem>> -> memref<1x8192xf32, #tpu.memory_space<vmem>>
      tpu.wait_dma2 semaphore(%dma_wait3A_1032 : memref<!tpu.dma_semaphore, #tpu.memory_space<semaphore_mem>>) src(%dma_wait3A_1038 : memref<1x8192xf32, #tpu.memory_space<vmem>>) dst(%dma_wait3A_1034 : memref<1x8192xf32, #tpu.memory_space<hbm>>)
      %add3A_1039 = arith.constant 6 : i32
      %add3A_1040 = arith.addi %mul3A_536, %add3A_1039 : i32
      %dma_start3A_1041 = arith.constant 6 : i32
      %dma_start3A_1042 = arith.constant 6 : i32
      %dma_start3A_1043 = arith.constant 0 : i32
      %dma_start3A_1044 = arith.constant 0 : i32
      %dma_start3A_1045 = tpu.memref_slice %arg6[%dma_start3A_1041, %dma_start3A_1043, %dma_start3A_1044] : memref<8x1x8192xf32, #tpu.memory_space<vmem>> -> memref<1x1x8192xf32, #tpu.memory_space<vmem>>
      %dma_start3A_1046 = tpu.memref_squeeze %dma_start3A_1045 : memref<1x1x8192xf32, #tpu.memory_space<vmem>> -> memref<1x8192xf32, #tpu.memory_space<vmem>>
      %dma_start3A_1047 = arith.constant 0 : i32
      %dma_start3A_1048 = tpu.memref_slice %arg5[%add3A_1040, %dma_start3A_1047] : memref<128x1xi32, #tpu.memory_space<vmem>> -> memref<1x1xi32, #tpu.memory_space<vmem>>
      %dma_start3A_1049 = tpu.memref_squeeze %dma_start3A_1048 : memref<1x1xi32, #tpu.memory_space<vmem>> -> memref<1xi32, #tpu.memory_space<vmem>>
      %dma_start3A_1050 = arith.constant 0 : i32
      %dma_start3A_1051 = arith.constant 0 : i32
      %dma_start3A_1052 = tpu.memref_slice %arg2[%dma_start3A_1050, %dma_start3A_1051] : memref<8192x8192xf32, #tpu.memory_space<hbm>> -> memref<8192x8192xf32, #tpu.memory_space<hbm>>
      %dma_start3A_1053 = tpu.memref_slice %arg7[%dma_start3A_1042] : memref<8x!tpu.dma_semaphore, #tpu.memory_space<semaphore_mem>> -> memref<1x!tpu.dma_semaphore, #tpu.memory_space<semaphore_mem>>
      %dma_start3A_1054 = tpu.memref_squeeze %dma_start3A_1053 : memref<1x!tpu.dma_semaphore, #tpu.memory_space<semaphore_mem>> -> memref<!tpu.dma_semaphore, #tpu.memory_space<semaphore_mem>>
      tpu.enqueue_indirect_dma source(%dma_start3A_1052 : memref<8192x8192xf32, #tpu.memory_space<hbm>>) target(%dma_start3A_1046 : memref<1x8192xf32, #tpu.memory_space<vmem>>) offsets(%dma_start3A_1049 : memref<1xi32, #tpu.memory_space<vmem>>) semaphore(%dma_start3A_1054 : memref<!tpu.dma_semaphore, #tpu.memory_space<semaphore_mem>>)
      %add3A_1055 = arith.constant 6 : i32
      %add3A_1056 = arith.addi %mul3A_536, %add3A_1055 : i32
      %sub3A_1057 = arith.constant 6 : i32
      %sub3A_1058 = arith.subi %add3A_1056, %sub3A_1057 : i32
      %dma_wait3A_1059 = arith.constant 0 : i32
      %dma_wait3A_1060 = arith.constant 0 : i32
      %dma_wait3A_1061 = arith.constant 0 : i32
      %dma_wait3A_1062 = arith.constant 0 : i32
      %dma_wait3A_1063 = tpu.memref_slice %arg6[%dma_wait3A_1059, %dma_wait3A_1061, %dma_wait3A_1062] : memref<8x1x8192xf32, #tpu.memory_space<vmem>> -> memref<1x1x8192xf32, #tpu.memory_space<vmem>>
      %dma_wait3A_1064 = tpu.memref_squeeze %dma_wait3A_1063 : memref<1x1x8192xf32, #tpu.memory_space<vmem>> -> memref<1x8192xf32, #tpu.memory_space<vmem>>
      %dma_wait3A_1065 = arith.constant 0 : i32
      %dma_wait3A_1066 = tpu.memref_slice %arg5[%sub3A_1058, %dma_wait3A_1065] : memref<128x1xi32, #tpu.memory_space<vmem>> -> memref<1x1xi32, #tpu.memory_space<vmem>>
      %dma_wait3A_1067 = tpu.memref_squeeze %dma_wait3A_1066 : memref<1x1xi32, #tpu.memory_space<vmem>> -> memref<1xi32, #tpu.memory_space<vmem>>
      %dma_wait3A_1068 = arith.constant 0 : i32
      %dma_wait3A_1069 = arith.constant 0 : i32
      %dma_wait3A_1070 = tpu.memref_slice %arg2[%dma_wait3A_1068, %dma_wait3A_1069] : memref<8192x8192xf32, #tpu.memory_space<hbm>> -> memref<8192x8192xf32, #tpu.memory_space<hbm>>
      %dma_wait3A_1071 = tpu.memref_slice %arg7[%dma_wait3A_1060] : memref<8x!tpu.dma_semaphore, #tpu.memory_space<semaphore_mem>> -> memref<1x!tpu.dma_semaphore, #tpu.memory_space<semaphore_mem>>
      %dma_wait3A_1072 = tpu.memref_squeeze %dma_wait3A_1071 : memref<1x!tpu.dma_semaphore, #tpu.memory_space<semaphore_mem>> -> memref<!tpu.dma_semaphore, #tpu.memory_space<semaphore_mem>>
      tpu.wait_indirect_dma semaphore(%dma_wait3A_1072 : memref<!tpu.dma_semaphore, #tpu.memory_space<semaphore_mem>>) src(%dma_wait3A_1070 : memref<8192x8192xf32, #tpu.memory_space<hbm>>) dst(%dma_wait3A_1064 : memref<1x8192xf32, #tpu.memory_space<vmem>>)
      %add3A_1073 = arith.constant 6 : i32
      %add3A_1074 = arith.addi %mul3A_536, %add3A_1073 : i32
      %sub3A_1075 = arith.constant 6 : i32
      %sub3A_1076 = arith.subi %add3A_1074, %sub3A_1075 : i32
      %mul3A_1077 = arith.constant 1 : i32
      %mul3A_1078 = arith.muli %sub3A_1076, %mul3A_1077 : i32
      %add3A_1079 = arith.addi %mul3A_2, %mul3A_1078 : i32
      %dma_start3A_1080 = arith.constant 0 : i32
      %dma_start3A_1081 = arith.constant 0 : i32
      %dma_start3A_1082 = arith.constant 0 : i32
      %dma_start3A_1083 = arith.constant 0 : i32
      %dma_start3A_1084 = tpu.memref_slice %arg6[%dma_start3A_1080, %dma_start3A_1082, %dma_start3A_1083] : memref<8x1x8192xf32, #tpu.memory_space<vmem>> -> memref<1x1x8192xf32, #tpu.memory_space<vmem>>
      %dma_start3A_1085 = tpu.memref_squeeze %dma_start3A_1084 : memref<1x1x8192xf32, #tpu.memory_space<vmem>> -> memref<1x8192xf32, #tpu.memory_space<vmem>>
      %dma_start3A_1086 = arith.constant 0 : i32
      %dma_start3A_1087 = tpu.memref_slice %arg4[%add3A_1079, %dma_start3A_1086] : memref<4096x8192xf32, #tpu.memory_space<hbm>> -> memref<1x8192xf32, #tpu.memory_space<hbm>>
      %dma_start3A_1088 = tpu.memref_slice %arg8[%dma_start3A_1081] : memref<8x!tpu.dma_semaphore, #tpu.memory_space<semaphore_mem>> -> memref<1x!tpu.dma_semaphore, #tpu.memory_space<semaphore_mem>>
      %dma_start3A_1089 = tpu.memref_squeeze %dma_start3A_1088 : memref<1x!tpu.dma_semaphore, #tpu.memory_space<semaphore_mem>> -> memref<!tpu.dma_semaphore, #tpu.memory_space<semaphore_mem>>
      %dma_start3A_1090 = arith.constant 0 : i32
      %dma_start3A_1091 = tpu.memref_slice %arg4[%add3A_1079, %dma_start3A_1090] : memref<4096x8192xf32, #tpu.memory_space<hbm>> -> memref<1x8192xf32, #tpu.memory_space<hbm>>
      %dma_start3A_1092 = arith.constant 0 : i32
      %dma_start3A_1093 = arith.constant 0 : i32
      %dma_start3A_1094 = tpu.memref_slice %arg6[%dma_start3A_1080, %dma_start3A_1092, %dma_start3A_1093] : memref<8x1x8192xf32, #tpu.memory_space<vmem>> -> memref<1x1x8192xf32, #tpu.memory_space<vmem>>
      %dma_start3A_1095 = tpu.memref_squeeze %dma_start3A_1094 : memref<1x1x8192xf32, #tpu.memory_space<vmem>> -> memref<1x8192xf32, #tpu.memory_space<vmem>>
      tpu.enqueue_dma source(%dma_start3A_1095 : memref<1x8192xf32, #tpu.memory_space<vmem>>) target(%dma_start3A_1091 : memref<1x8192xf32, #tpu.memory_space<hbm>>) target_semaphore(%dma_start3A_1089 : memref<!tpu.dma_semaphore, #tpu.memory_space<semaphore_mem>>)
      %add3A_1096 = arith.constant 7 : i32
      %add3A_1097 = arith.addi %mul3A_536, %add3A_1096 : i32
      %sub3A_1098 = arith.constant 8 : i32
      %sub3A_1099 = arith.subi %add3A_1097, %sub3A_1098 : i32
      %mul3A_1100 = arith.constant 1 : i32
      %mul3A_1101 = arith.muli %sub3A_1099, %mul3A_1100 : i32
      %add3A_1102 = arith.addi %mul3A_2, %mul3A_1101 : i32
      %dma_wait3A_1103 = arith.constant 7 : i32
      %dma_wait3A_1104 = arith.constant 7 : i32
      %dma_wait3A_1105 = arith.constant 0 : i32
      %dma_wait3A_1106 = arith.constant 0 : i32
      %dma_wait3A_1107 = tpu.memref_slice %arg6[%dma_wait3A_1103, %dma_wait3A_1105, %dma_wait3A_1106] : memref<8x1x8192xf32, #tpu.memory_space<vmem>> -> memref<1x1x8192xf32, #tpu.memory_space<vmem>>
      %dma_wait3A_1108 = tpu.memref_squeeze %dma_wait3A_1107 : memref<1x1x8192xf32, #tpu.memory_space<vmem>> -> memref<1x8192xf32, #tpu.memory_space<vmem>>
      %dma_wait3A_1109 = arith.constant 0 : i32
      %dma_wait3A_1110 = tpu.memref_slice %arg4[%add3A_1102, %dma_wait3A_1109] : memref<4096x8192xf32, #tpu.memory_space<hbm>> -> memref<1x8192xf32, #tpu.memory_space<hbm>>
      %dma_wait3A_1111 = tpu.memref_slice %arg8[%dma_wait3A_1104] : memref<8x!tpu.dma_semaphore, #tpu.memory_space<semaphore_mem>> -> memref<1x!tpu.dma_semaphore, #tpu.memory_space<semaphore_mem>>
      %dma_wait3A_1112 = tpu.memref_squeeze %dma_wait3A_1111 : memref<1x!tpu.dma_semaphore, #tpu.memory_space<semaphore_mem>> -> memref<!tpu.dma_semaphore, #tpu.memory_space<semaphore_mem>>
      %dma_wait3A_1113 = arith.constant 0 : i32
      %dma_wait3A_1114 = tpu.memref_slice %arg4[%add3A_1102, %dma_wait3A_1113] : memref<4096x8192xf32, #tpu.memory_space<hbm>> -> memref<1x8192xf32, #tpu.memory_space<hbm>>
      %dma_wait3A_1115 = arith.constant 0 : i32
      %dma_wait3A_1116 = arith.constant 0 : i32
      %dma_wait3A_1117 = tpu.memref_slice %arg6[%dma_wait3A_1103, %dma_wait3A_1115, %dma_wait3A_1116] : memref<8x1x8192xf32, #tpu.memory_space<vmem>> -> memref<1x1x8192xf32, #tpu.memory_space<vmem>>
      %dma_wait3A_1118 = tpu.memref_squeeze %dma_wait3A_1117 : memref<1x1x8192xf32, #tpu.memory_space<vmem>> -> memref<1x8192xf32, #tpu.memory_space<vmem>>
      tpu.wait_dma2 semaphore(%dma_wait3A_1112 : memref<!tpu.dma_semaphore, #tpu.memory_space<semaphore_mem>>) src(%dma_wait3A_1118 : memref<1x8192xf32, #tpu.memory_space<vmem>>) dst(%dma_wait3A_1114 : memref<1x8192xf32, #tpu.memory_space<hbm>>)
      %add3A_1119 = arith.constant 7 : i32
      %add3A_1120 = arith.addi %mul3A_536, %add3A_1119 : i32
      %dma_start3A_1121 = arith.constant 7 : i32
      %dma_start3A_1122 = arith.constant 7 : i32
      %dma_start3A_1123 = arith.constant 0 : i32
      %dma_start3A_1124 = arith.constant 0 : i32
      %dma_start3A_1125 = tpu.memref_slice %arg6[%dma_start3A_1121, %dma_start3A_1123, %dma_start3A_1124] : memref<8x1x8192xf32, #tpu.memory_space<vmem>> -> memref<1x1x8192xf32, #tpu.memory_space<vmem>>
      %dma_start3A_1126 = tpu.memref_squeeze %dma_start3A_1125 : memref<1x1x8192xf32, #tpu.memory_space<vmem>> -> memref<1x8192xf32, #tpu.memory_space<vmem>>
      %dma_start3A_1127 = arith.constant 0 : i32
      %dma_start3A_1128 = tpu.memref_slice %arg5[%add3A_1120, %dma_start3A_1127] : memref<128x1xi32, #tpu.memory_space<vmem>> -> memref<1x1xi32, #tpu.memory_space<vmem>>
      %dma_start3A_1129 = tpu.memref_squeeze %dma_start3A_1128 : memref<1x1xi32, #tpu.memory_space<vmem>> -> memref<1xi32, #tpu.memory_space<vmem>>
      %dma_start3A_1130 = arith.constant 0 : i32
      %dma_start3A_1131 = arith.constant 0 : i32
      %dma_start3A_1132 = tpu.memref_slice %arg2[%dma_start3A_1130, %dma_start3A_1131] : memref<8192x8192xf32, #tpu.memory_space<hbm>> -> memref<8192x8192xf32, #tpu.memory_space<hbm>>
      %dma_start3A_1133 = tpu.memref_slice %arg7[%dma_start3A_1122] : memref<8x!tpu.dma_semaphore, #tpu.memory_space<semaphore_mem>> -> memref<1x!tpu.dma_semaphore, #tpu.memory_space<semaphore_mem>>
      %dma_start3A_1134 = tpu.memref_squeeze %dma_start3A_1133 : memref<1x!tpu.dma_semaphore, #tpu.memory_space<semaphore_mem>> -> memref<!tpu.dma_semaphore, #tpu.memory_space<semaphore_mem>>
      tpu.enqueue_indirect_dma source(%dma_start3A_1132 : memref<8192x8192xf32, #tpu.memory_space<hbm>>) target(%dma_start3A_1126 : memref<1x8192xf32, #tpu.memory_space<vmem>>) offsets(%dma_start3A_1129 : memref<1xi32, #tpu.memory_space<vmem>>) semaphore(%dma_start3A_1134 : memref<!tpu.dma_semaphore, #tpu.memory_space<semaphore_mem>>)
      %add3A_1135 = arith.constant 7 : i32
      %add3A_1136 = arith.addi %mul3A_536, %add3A_1135 : i32
      %sub3A_1137 = arith.constant 6 : i32
      %sub3A_1138 = arith.subi %add3A_1136, %sub3A_1137 : i32
      %dma_wait3A_1139 = arith.constant 1 : i32
      %dma_wait3A_1140 = arith.constant 1 : i32
      %dma_wait3A_1141 = arith.constant 0 : i32
      %dma_wait3A_1142 = arith.constant 0 : i32
      %dma_wait3A_1143 = tpu.memref_slice %arg6[%dma_wait3A_1139, %dma_wait3A_1141, %dma_wait3A_1142] : memref<8x1x8192xf32, #tpu.memory_space<vmem>> -> memref<1x1x8192xf32, #tpu.memory_space<vmem>>
      %dma_wait3A_1144 = tpu.memref_squeeze %dma_wait3A_1143 : memref<1x1x8192xf32, #tpu.memory_space<vmem>> -> memref<1x8192xf32, #tpu.memory_space<vmem>>
      %dma_wait3A_1145 = arith.constant 0 : i32
      %dma_wait3A_1146 = tpu.memref_slice %arg5[%sub3A_1138, %dma_wait3A_1145] : memref<128x1xi32, #tpu.memory_space<vmem>> -> memref<1x1xi32, #tpu.memory_space<vmem>>
      %dma_wait3A_1147 = tpu.memref_squeeze %dma_wait3A_1146 : memref<1x1xi32, #tpu.memory_space<vmem>> -> memref<1xi32, #tpu.memory_space<vmem>>
      %dma_wait3A_1148 = arith.constant 0 : i32
      %dma_wait3A_1149 = arith.constant 0 : i32
      %dma_wait3A_1150 = tpu.memref_slice %arg2[%dma_wait3A_1148, %dma_wait3A_1149] : memref<8192x8192xf32, #tpu.memory_space<hbm>> -> memref<8192x8192xf32, #tpu.memory_space<hbm>>
      %dma_wait3A_1151 = tpu.memref_slice %arg7[%dma_wait3A_1140] : memref<8x!tpu.dma_semaphore, #tpu.memory_space<semaphore_mem>> -> memref<1x!tpu.dma_semaphore, #tpu.memory_space<semaphore_mem>>
      %dma_wait3A_1152 = tpu.memref_squeeze %dma_wait3A_1151 : memref<1x!tpu.dma_semaphore, #tpu.memory_space<semaphore_mem>> -> memref<!tpu.dma_semaphore, #tpu.memory_space<semaphore_mem>>
      tpu.wait_indirect_dma semaphore(%dma_wait3A_1152 : memref<!tpu.dma_semaphore, #tpu.memory_space<semaphore_mem>>) src(%dma_wait3A_1150 : memref<8192x8192xf32, #tpu.memory_space<hbm>>) dst(%dma_wait3A_1144 : memref<1x8192xf32, #tpu.memory_space<vmem>>)
      %add3A_1153 = arith.constant 7 : i32
      %add3A_1154 = arith.addi %mul3A_536, %add3A_1153 : i32
      %sub3A_1155 = arith.constant 6 : i32
      %sub3A_1156 = arith.subi %add3A_1154, %sub3A_1155 : i32
      %mul3A_1157 = arith.constant 1 : i32
      %mul3A_1158 = arith.muli %sub3A_1156, %mul3A_1157 : i32
      %add3A_1159 = arith.addi %mul3A_2, %mul3A_1158 : i32
      %dma_start3A_1160 = arith.constant 1 : i32
      %dma_start3A_1161 = arith.constant 1 : i32
      %dma_start3A_1162 = arith.constant 0 : i32
      %dma_start3A_1163 = arith.constant 0 : i32
      %dma_start3A_1164 = tpu.memref_slice %arg6[%dma_start3A_1160, %dma_start3A_1162, %dma_start3A_1163] : memref<8x1x8192xf32, #tpu.memory_space<vmem>> -> memref<1x1x8192xf32, #tpu.memory_space<vmem>>
      %dma_start3A_1165 = tpu.memref_squeeze %dma_start3A_1164 : memref<1x1x8192xf32, #tpu.memory_space<vmem>> -> memref<1x8192xf32, #tpu.memory_space<vmem>>
      %dma_start3A_1166 = arith.constant 0 : i32
      %dma_start3A_1167 = tpu.memref_slice %arg4[%add3A_1159, %dma_start3A_1166] : memref<4096x8192xf32, #tpu.memory_space<hbm>> -> memref<1x8192xf32, #tpu.memory_space<hbm>>
      %dma_start3A_1168 = tpu.memref_slice %arg8[%dma_start3A_1161] : memref<8x!tpu.dma_semaphore, #tpu.memory_space<semaphore_mem>> -> memref<1x!tpu.dma_semaphore, #tpu.memory_space<semaphore_mem>>
      %dma_start3A_1169 = tpu.memref_squeeze %dma_start3A_1168 : memref<1x!tpu.dma_semaphore, #tpu.memory_space<semaphore_mem>> -> memref<!tpu.dma_semaphore, #tpu.memory_space<semaphore_mem>>
      %dma_start3A_1170 = arith.constant 0 : i32
      %dma_start3A_1171 = tpu.memref_slice %arg4[%add3A_1159, %dma_start3A_1170] : memref<4096x8192xf32, #tpu.memory_space<hbm>> -> memref<1x8192xf32, #tpu.memory_space<hbm>>
      %dma_start3A_1172 = arith.constant 0 : i32
      %dma_start3A_1173 = arith.constant 0 : i32
      %dma_start3A_1174 = tpu.memref_slice %arg6[%dma_start3A_1160, %dma_start3A_1172, %dma_start3A_1173] : memref<8x1x8192xf32, #tpu.memory_space<vmem>> -> memref<1x1x8192xf32, #tpu.memory_space<vmem>>
      %dma_start3A_1175 = tpu.memref_squeeze %dma_start3A_1174 : memref<1x1x8192xf32, #tpu.memory_space<vmem>> -> memref<1x8192xf32, #tpu.memory_space<vmem>>
      tpu.enqueue_dma source(%dma_start3A_1175 : memref<1x8192xf32, #tpu.memory_space<vmem>>) target(%dma_start3A_1171 : memref<1x8192xf32, #tpu.memory_space<hbm>>) target_semaphore(%dma_start3A_1169 : memref<!tpu.dma_semaphore, #tpu.memory_space<semaphore_mem>>)
    }
    %scan3A_191 = arith.constant 15 : i32
    %dma_wait3A_192 = arith.constant 122 : i32
    %dma_wait3A_193 = arith.constant 2 : i32
    %dma_wait3A_194 = arith.constant 2 : i32
    %dma_wait3A_195 = arith.constant 0 : i32
    %dma_wait3A_196 = arith.constant 0 : i32
    %dma_wait3A_197 = tpu.memref_slice %arg6[%dma_wait3A_193, %dma_wait3A_195, %dma_wait3A_196] : memref<8x1x8192xf32, #tpu.memory_space<vmem>> -> memref<1x1x8192xf32, #tpu.memory_space<vmem>>
    %dma_wait3A_198 = tpu.memref_squeeze %dma_wait3A_197 : memref<1x1x8192xf32, #tpu.memory_space<vmem>> -> memref<1x8192xf32, #tpu.memory_space<vmem>>
    %dma_wait3A_199 = arith.constant 0 : i32
    %dma_wait3A_200 = tpu.memref_slice %arg5[%dma_wait3A_192, %dma_wait3A_199] : memref<128x1xi32, #tpu.memory_space<vmem>> -> memref<1x1xi32, #tpu.memory_space<vmem>>
    %dma_wait3A_201 = tpu.memref_squeeze %dma_wait3A_200 : memref<1x1xi32, #tpu.memory_space<vmem>> -> memref<1xi32, #tpu.memory_space<vmem>>
    %dma_wait3A_202 = arith.constant 0 : i32
    %dma_wait3A_203 = arith.constant 0 : i32
    %dma_wait3A_204 = tpu.memref_slice %arg2[%dma_wait3A_202, %dma_wait3A_203] : memref<8192x8192xf32, #tpu.memory_space<hbm>> -> memref<8192x8192xf32, #tpu.memory_space<hbm>>
    %dma_wait3A_205 = tpu.memref_slice %arg7[%dma_wait3A_194] : memref<8x!tpu.dma_semaphore, #tpu.memory_space<semaphore_mem>> -> memref<1x!tpu.dma_semaphore, #tpu.memory_space<semaphore_mem>>
    %dma_wait3A_206 = tpu.memref_squeeze %dma_wait3A_205 : memref<1x!tpu.dma_semaphore, #tpu.memory_space<semaphore_mem>> -> memref<!tpu.dma_semaphore, #tpu.memory_space<semaphore_mem>>
    tpu.wait_indirect_dma semaphore(%dma_wait3A_206 : memref<!tpu.dma_semaphore, #tpu.memory_space<semaphore_mem>>) src(%dma_wait3A_204 : memref<8192x8192xf32, #tpu.memory_space<hbm>>) dst(%dma_wait3A_198 : memref<1x8192xf32, #tpu.memory_space<vmem>>)
    %add3A_207 = arith.constant 122 : i32
    %add3A_208 = arith.addi %mul3A_2, %add3A_207 : i32
    %dma_start3A_209 = arith.constant 2 : i32
    %dma_start3A_210 = arith.constant 2 : i32
    %dma_start3A_211 = arith.constant 0 : i32
    %dma_start3A_212 = arith.constant 0 : i32
    %dma_start3A_213 = tpu.memref_slice %arg6[%dma_start3A_209, %dma_start3A_211, %dma_start3A_212] : memref<8x1x8192xf32, #tpu.memory_space<vmem>> -> memref<1x1x8192xf32, #tpu.memory_space<vmem>>
    %dma_start3A_214 = tpu.memref_squeeze %dma_start3A_213 : memref<1x1x8192xf32, #tpu.memory_space<vmem>> -> memref<1x8192xf32, #tpu.memory_space<vmem>>
    %dma_start3A_215 = arith.constant 0 : i32
    %dma_start3A_216 = tpu.memref_slice %arg4[%add3A_208, %dma_start3A_215] : memref<4096x8192xf32, #tpu.memory_space<hbm>> -> memref<1x8192xf32, #tpu.memory_space<hbm>>
    %dma_start3A_217 = tpu.memref_slice %arg8[%dma_start3A_210] : memref<8x!tpu.dma_semaphore, #tpu.memory_space<semaphore_mem>> -> memref<1x!tpu.dma_semaphore, #tpu.memory_space<semaphore_mem>>
    %dma_start3A_218 = tpu.memref_squeeze %dma_start3A_217 : memref<1x!tpu.dma_semaphore, #tpu.memory_space<semaphore_mem>> -> memref<!tpu.dma_semaphore, #tpu.memory_space<semaphore_mem>>
    %dma_start3A_219 = arith.constant 0 : i32
    %dma_start3A_220 = tpu.memref_slice %arg4[%add3A_208, %dma_start3A_219] : memref<4096x8192xf32, #tpu.memory_space<hbm>> -> memref<1x8192xf32, #tpu.memory_space<hbm>>
    %dma_start3A_221 = arith.constant 0 : i32
    %dma_start3A_222 = arith.constant 0 : i32
    %dma_start3A_223 = tpu.memref_slice %arg6[%dma_start3A_209, %dma_start3A_221, %dma_start3A_222] : memref<8x1x8192xf32, #tpu.memory_space<vmem>> -> memref<1x1x8192xf32, #tpu.memory_space<vmem>>
    %dma_start3A_224 = tpu.memref_squeeze %dma_start3A_223 : memref<1x1x8192xf32, #tpu.memory_space<vmem>> -> memref<1x8192xf32, #tpu.memory_space<vmem>>
    tpu.enqueue_dma source(%dma_start3A_224 : memref<1x8192xf32, #tpu.memory_space<vmem>>) target(%dma_start3A_220 : memref<1x8192xf32, #tpu.memory_space<hbm>>) target_semaphore(%dma_start3A_218 : memref<!tpu.dma_semaphore, #tpu.memory_space<semaphore_mem>>)
    %dma_wait3A_225 = arith.constant 123 : i32
    %dma_wait3A_226 = arith.constant 3 : i32
    %dma_wait3A_227 = arith.constant 3 : i32
    %dma_wait3A_228 = arith.constant 0 : i32
    %dma_wait3A_229 = arith.constant 0 : i32
    %dma_wait3A_230 = tpu.memref_slice %arg6[%dma_wait3A_226, %dma_wait3A_228, %dma_wait3A_229] : memref<8x1x8192xf32, #tpu.memory_space<vmem>> -> memref<1x1x8192xf32, #tpu.memory_space<vmem>>
    %dma_wait3A_231 = tpu.memref_squeeze %dma_wait3A_230 : memref<1x1x8192xf32, #tpu.memory_space<vmem>> -> memref<1x8192xf32, #tpu.memory_space<vmem>>
    %dma_wait3A_232 = arith.constant 0 : i32
    %dma_wait3A_233 = tpu.memref_slice %arg5[%dma_wait3A_225, %dma_wait3A_232] : memref<128x1xi32, #tpu.memory_space<vmem>> -> memref<1x1xi32, #tpu.memory_space<vmem>>
    %dma_wait3A_234 = tpu.memref_squeeze %dma_wait3A_233 : memref<1x1xi32, #tpu.memory_space<vmem>> -> memref<1xi32, #tpu.memory_space<vmem>>
    %dma_wait3A_235 = arith.constant 0 : i32
    %dma_wait3A_236 = arith.constant 0 : i32
    %dma_wait3A_237 = tpu.memref_slice %arg2[%dma_wait3A_235, %dma_wait3A_236] : memref<8192x8192xf32, #tpu.memory_space<hbm>> -> memref<8192x8192xf32, #tpu.memory_space<hbm>>
    %dma_wait3A_238 = tpu.memref_slice %arg7[%dma_wait3A_227] : memref<8x!tpu.dma_semaphore, #tpu.memory_space<semaphore_mem>> -> memref<1x!tpu.dma_semaphore, #tpu.memory_space<semaphore_mem>>
    %dma_wait3A_239 = tpu.memref_squeeze %dma_wait3A_238 : memref<1x!tpu.dma_semaphore, #tpu.memory_space<semaphore_mem>> -> memref<!tpu.dma_semaphore, #tpu.memory_space<semaphore_mem>>
    tpu.wait_indirect_dma semaphore(%dma_wait3A_239 : memref<!tpu.dma_semaphore, #tpu.memory_space<semaphore_mem>>) src(%dma_wait3A_237 : memref<8192x8192xf32, #tpu.memory_space<hbm>>) dst(%dma_wait3A_231 : memref<1x8192xf32, #tpu.memory_space<vmem>>)
    %add3A_240 = arith.constant 123 : i32
    %add3A_241 = arith.addi %mul3A_2, %add3A_240 : i32
    %dma_start3A_242 = arith.constant 3 : i32
    %dma_start3A_243 = arith.constant 3 : i32
    %dma_start3A_244 = arith.constant 0 : i32
    %dma_start3A_245 = arith.constant 0 : i32
    %dma_start3A_246 = tpu.memref_slice %arg6[%dma_start3A_242, %dma_start3A_244, %dma_start3A_245] : memref<8x1x8192xf32, #tpu.memory_space<vmem>> -> memref<1x1x8192xf32, #tpu.memory_space<vmem>>
    %dma_start3A_247 = tpu.memref_squeeze %dma_start3A_246 : memref<1x1x8192xf32, #tpu.memory_space<vmem>> -> memref<1x8192xf32, #tpu.memory_space<vmem>>
    %dma_start3A_248 = arith.constant 0 : i32
    %dma_start3A_249 = tpu.memref_slice %arg4[%add3A_241, %dma_start3A_248] : memref<4096x8192xf32, #tpu.memory_space<hbm>> -> memref<1x8192xf32, #tpu.memory_space<hbm>>
    %dma_start3A_250 = tpu.memref_slice %arg8[%dma_start3A_243] : memref<8x!tpu.dma_semaphore, #tpu.memory_space<semaphore_mem>> -> memref<1x!tpu.dma_semaphore, #tpu.memory_space<semaphore_mem>>
    %dma_start3A_251 = tpu.memref_squeeze %dma_start3A_250 : memref<1x!tpu.dma_semaphore, #tpu.memory_space<semaphore_mem>> -> memref<!tpu.dma_semaphore, #tpu.memory_space<semaphore_mem>>
    %dma_start3A_252 = arith.constant 0 : i32
    %dma_start3A_253 = tpu.memref_slice %arg4[%add3A_241, %dma_start3A_252] : memref<4096x8192xf32, #tpu.memory_space<hbm>> -> memref<1x8192xf32, #tpu.memory_space<hbm>>
    %dma_start3A_254 = arith.constant 0 : i32
    %dma_start3A_255 = arith.constant 0 : i32
    %dma_start3A_256 = tpu.memref_slice %arg6[%dma_start3A_242, %dma_start3A_254, %dma_start3A_255] : memref<8x1x8192xf32, #tpu.memory_space<vmem>> -> memref<1x1x8192xf32, #tpu.memory_space<vmem>>
    %dma_start3A_257 = tpu.memref_squeeze %dma_start3A_256 : memref<1x1x8192xf32, #tpu.memory_space<vmem>> -> memref<1x8192xf32, #tpu.memory_space<vmem>>
    tpu.enqueue_dma source(%dma_start3A_257 : memref<1x8192xf32, #tpu.memory_space<vmem>>) target(%dma_start3A_253 : memref<1x8192xf32, #tpu.memory_space<hbm>>) target_semaphore(%dma_start3A_251 : memref<!tpu.dma_semaphore, #tpu.memory_space<semaphore_mem>>)
    %dma_wait3A_258 = arith.constant 124 : i32
    %dma_wait3A_259 = arith.constant 4 : i32
    %dma_wait3A_260 = arith.constant 4 : i32
    %dma_wait3A_261 = arith.constant 0 : i32
    %dma_wait3A_262 = arith.constant 0 : i32
    %dma_wait3A_263 = tpu.memref_slice %arg6[%dma_wait3A_259, %dma_wait3A_261, %dma_wait3A_262] : memref<8x1x8192xf32, #tpu.memory_space<vmem>> -> memref<1x1x8192xf32, #tpu.memory_space<vmem>>
    %dma_wait3A_264 = tpu.memref_squeeze %dma_wait3A_263 : memref<1x1x8192xf32, #tpu.memory_space<vmem>> -> memref<1x8192xf32, #tpu.memory_space<vmem>>
    %dma_wait3A_265 = arith.constant 0 : i32
    %dma_wait3A_266 = tpu.memref_slice %arg5[%dma_wait3A_258, %dma_wait3A_265] : memref<128x1xi32, #tpu.memory_space<vmem>> -> memref<1x1xi32, #tpu.memory_space<vmem>>
    %dma_wait3A_267 = tpu.memref_squeeze %dma_wait3A_266 : memref<1x1xi32, #tpu.memory_space<vmem>> -> memref<1xi32, #tpu.memory_space<vmem>>
    %dma_wait3A_268 = arith.constant 0 : i32
    %dma_wait3A_269 = arith.constant 0 : i32
    %dma_wait3A_270 = tpu.memref_slice %arg2[%dma_wait3A_268, %dma_wait3A_269] : memref<8192x8192xf32, #tpu.memory_space<hbm>> -> memref<8192x8192xf32, #tpu.memory_space<hbm>>
    %dma_wait3A_271 = tpu.memref_slice %arg7[%dma_wait3A_260] : memref<8x!tpu.dma_semaphore, #tpu.memory_space<semaphore_mem>> -> memref<1x!tpu.dma_semaphore, #tpu.memory_space<semaphore_mem>>
    %dma_wait3A_272 = tpu.memref_squeeze %dma_wait3A_271 : memref<1x!tpu.dma_semaphore, #tpu.memory_space<semaphore_mem>> -> memref<!tpu.dma_semaphore, #tpu.memory_space<semaphore_mem>>
    tpu.wait_indirect_dma semaphore(%dma_wait3A_272 : memref<!tpu.dma_semaphore, #tpu.memory_space<semaphore_mem>>) src(%dma_wait3A_270 : memref<8192x8192xf32, #tpu.memory_space<hbm>>) dst(%dma_wait3A_264 : memref<1x8192xf32, #tpu.memory_space<vmem>>)
    %add3A_273 = arith.constant 124 : i32
    %add3A_274 = arith.addi %mul3A_2, %add3A_273 : i32
    %dma_start3A_275 = arith.constant 4 : i32
    %dma_start3A_276 = arith.constant 4 : i32
    %dma_start3A_277 = arith.constant 0 : i32
    %dma_start3A_278 = arith.constant 0 : i32
    %dma_start3A_279 = tpu.memref_slice %arg6[%dma_start3A_275, %dma_start3A_277, %dma_start3A_278] : memref<8x1x8192xf32, #tpu.memory_space<vmem>> -> memref<1x1x8192xf32, #tpu.memory_space<vmem>>
    %dma_start3A_280 = tpu.memref_squeeze %dma_start3A_279 : memref<1x1x8192xf32, #tpu.memory_space<vmem>> -> memref<1x8192xf32, #tpu.memory_space<vmem>>
    %dma_start3A_281 = arith.constant 0 : i32
    %dma_start3A_282 = tpu.memref_slice %arg4[%add3A_274, %dma_start3A_281] : memref<4096x8192xf32, #tpu.memory_space<hbm>> -> memref<1x8192xf32, #tpu.memory_space<hbm>>
    %dma_start3A_283 = tpu.memref_slice %arg8[%dma_start3A_276] : memref<8x!tpu.dma_semaphore, #tpu.memory_space<semaphore_mem>> -> memref<1x!tpu.dma_semaphore, #tpu.memory_space<semaphore_mem>>
    %dma_start3A_284 = tpu.memref_squeeze %dma_start3A_283 : memref<1x!tpu.dma_semaphore, #tpu.memory_space<semaphore_mem>> -> memref<!tpu.dma_semaphore, #tpu.memory_space<semaphore_mem>>
    %dma_start3A_285 = arith.constant 0 : i32
    %dma_start3A_286 = tpu.memref_slice %arg4[%add3A_274, %dma_start3A_285] : memref<4096x8192xf32, #tpu.memory_space<hbm>> -> memref<1x8192xf32, #tpu.memory_space<hbm>>
    %dma_start3A_287 = arith.constant 0 : i32
    %dma_start3A_288 = arith.constant 0 : i32
    %dma_start3A_289 = tpu.memref_slice %arg6[%dma_start3A_275, %dma_start3A_287, %dma_start3A_288] : memref<8x1x8192xf32, #tpu.memory_space<vmem>> -> memref<1x1x8192xf32, #tpu.memory_space<vmem>>
    %dma_start3A_290 = tpu.memref_squeeze %dma_start3A_289 : memref<1x1x8192xf32, #tpu.memory_space<vmem>> -> memref<1x8192xf32, #tpu.memory_space<vmem>>
    tpu.enqueue_dma source(%dma_start3A_290 : memref<1x8192xf32, #tpu.memory_space<vmem>>) target(%dma_start3A_286 : memref<1x8192xf32, #tpu.memory_space<hbm>>) target_semaphore(%dma_start3A_284 : memref<!tpu.dma_semaphore, #tpu.memory_space<semaphore_mem>>)
    %dma_wait3A_291 = arith.constant 125 : i32
    %dma_wait3A_292 = arith.constant 5 : i32
    %dma_wait3A_293 = arith.constant 5 : i32
    %dma_wait3A_294 = arith.constant 0 : i32
    %dma_wait3A_295 = arith.constant 0 : i32
    %dma_wait3A_296 = tpu.memref_slice %arg6[%dma_wait3A_292, %dma_wait3A_294, %dma_wait3A_295] : memref<8x1x8192xf32, #tpu.memory_space<vmem>> -> memref<1x1x8192xf32, #tpu.memory_space<vmem>>
    %dma_wait3A_297 = tpu.memref_squeeze %dma_wait3A_296 : memref<1x1x8192xf32, #tpu.memory_space<vmem>> -> memref<1x8192xf32, #tpu.memory_space<vmem>>
    %dma_wait3A_298 = arith.constant 0 : i32
    %dma_wait3A_299 = tpu.memref_slice %arg5[%dma_wait3A_291, %dma_wait3A_298] : memref<128x1xi32, #tpu.memory_space<vmem>> -> memref<1x1xi32, #tpu.memory_space<vmem>>
    %dma_wait3A_300 = tpu.memref_squeeze %dma_wait3A_299 : memref<1x1xi32, #tpu.memory_space<vmem>> -> memref<1xi32, #tpu.memory_space<vmem>>
    %dma_wait3A_301 = arith.constant 0 : i32
    %dma_wait3A_302 = arith.constant 0 : i32
    %dma_wait3A_303 = tpu.memref_slice %arg2[%dma_wait3A_301, %dma_wait3A_302] : memref<8192x8192xf32, #tpu.memory_space<hbm>> -> memref<8192x8192xf32, #tpu.memory_space<hbm>>
    %dma_wait3A_304 = tpu.memref_slice %arg7[%dma_wait3A_293] : memref<8x!tpu.dma_semaphore, #tpu.memory_space<semaphore_mem>> -> memref<1x!tpu.dma_semaphore, #tpu.memory_space<semaphore_mem>>
    %dma_wait3A_305 = tpu.memref_squeeze %dma_wait3A_304 : memref<1x!tpu.dma_semaphore, #tpu.memory_space<semaphore_mem>> -> memref<!tpu.dma_semaphore, #tpu.memory_space<semaphore_mem>>
    tpu.wait_indirect_dma semaphore(%dma_wait3A_305 : memref<!tpu.dma_semaphore, #tpu.memory_space<semaphore_mem>>) src(%dma_wait3A_303 : memref<8192x8192xf32, #tpu.memory_space<hbm>>) dst(%dma_wait3A_297 : memref<1x8192xf32, #tpu.memory_space<vmem>>)
    %add3A_306 = arith.constant 125 : i32
    %add3A_307 = arith.addi %mul3A_2, %add3A_306 : i32
    %dma_start3A_308 = arith.constant 5 : i32
    %dma_start3A_309 = arith.constant 5 : i32
    %dma_start3A_310 = arith.constant 0 : i32
    %dma_start3A_311 = arith.constant 0 : i32
    %dma_start3A_312 = tpu.memref_slice %arg6[%dma_start3A_308, %dma_start3A_310, %dma_start3A_311] : memref<8x1x8192xf32, #tpu.memory_space<vmem>> -> memref<1x1x8192xf32, #tpu.memory_space<vmem>>
    %dma_start3A_313 = tpu.memref_squeeze %dma_start3A_312 : memref<1x1x8192xf32, #tpu.memory_space<vmem>> -> memref<1x8192xf32, #tpu.memory_space<vmem>>
    %dma_start3A_314 = arith.constant 0 : i32
    %dma_start3A_315 = tpu.memref_slice %arg4[%add3A_307, %dma_start3A_314] : memref<4096x8192xf32, #tpu.memory_space<hbm>> -> memref<1x8192xf32, #tpu.memory_space<hbm>>
    %dma_start3A_316 = tpu.memref_slice %arg8[%dma_start3A_309] : memref<8x!tpu.dma_semaphore, #tpu.memory_space<semaphore_mem>> -> memref<1x!tpu.dma_semaphore, #tpu.memory_space<semaphore_mem>>
    %dma_start3A_317 = tpu.memref_squeeze %dma_start3A_316 : memref<1x!tpu.dma_semaphore, #tpu.memory_space<semaphore_mem>> -> memref<!tpu.dma_semaphore, #tpu.memory_space<semaphore_mem>>
    %dma_start3A_318 = arith.constant 0 : i32
    %dma_start3A_319 = tpu.memref_slice %arg4[%add3A_307, %dma_start3A_318] : memref<4096x8192xf32, #tpu.memory_space<hbm>> -> memref<1x8192xf32, #tpu.memory_space<hbm>>
    %dma_start3A_320 = arith.constant 0 : i32
    %dma_start3A_321 = arith.constant 0 : i32
    %dma_start3A_322 = tpu.memref_slice %arg6[%dma_start3A_308, %dma_start3A_320, %dma_start3A_321] : memref<8x1x8192xf32, #tpu.memory_space<vmem>> -> memref<1x1x8192xf32, #tpu.memory_space<vmem>>
    %dma_start3A_323 = tpu.memref_squeeze %dma_start3A_322 : memref<1x1x8192xf32, #tpu.memory_space<vmem>> -> memref<1x8192xf32, #tpu.memory_space<vmem>>
    tpu.enqueue_dma source(%dma_start3A_323 : memref<1x8192xf32, #tpu.memory_space<vmem>>) target(%dma_start3A_319 : memref<1x8192xf32, #tpu.memory_space<hbm>>) target_semaphore(%dma_start3A_317 : memref<!tpu.dma_semaphore, #tpu.memory_space<semaphore_mem>>)
    %dma_wait3A_324 = arith.constant 126 : i32
    %dma_wait3A_325 = arith.constant 6 : i32
    %dma_wait3A_326 = arith.constant 6 : i32
    %dma_wait3A_327 = arith.constant 0 : i32
    %dma_wait3A_328 = arith.constant 0 : i32
    %dma_wait3A_329 = tpu.memref_slice %arg6[%dma_wait3A_325, %dma_wait3A_327, %dma_wait3A_328] : memref<8x1x8192xf32, #tpu.memory_space<vmem>> -> memref<1x1x8192xf32, #tpu.memory_space<vmem>>
    %dma_wait3A_330 = tpu.memref_squeeze %dma_wait3A_329 : memref<1x1x8192xf32, #tpu.memory_space<vmem>> -> memref<1x8192xf32, #tpu.memory_space<vmem>>
    %dma_wait3A_331 = arith.constant 0 : i32
    %dma_wait3A_332 = tpu.memref_slice %arg5[%dma_wait3A_324, %dma_wait3A_331] : memref<128x1xi32, #tpu.memory_space<vmem>> -> memref<1x1xi32, #tpu.memory_space<vmem>>
    %dma_wait3A_333 = tpu.memref_squeeze %dma_wait3A_332 : memref<1x1xi32, #tpu.memory_space<vmem>> -> memref<1xi32, #tpu.memory_space<vmem>>
    %dma_wait3A_334 = arith.constant 0 : i32
    %dma_wait3A_335 = arith.constant 0 : i32
    %dma_wait3A_336 = tpu.memref_slice %arg2[%dma_wait3A_334, %dma_wait3A_335] : memref<8192x8192xf32, #tpu.memory_space<hbm>> -> memref<8192x8192xf32, #tpu.memory_space<hbm>>
    %dma_wait3A_337 = tpu.memref_slice %arg7[%dma_wait3A_326] : memref<8x!tpu.dma_semaphore, #tpu.memory_space<semaphore_mem>> -> memref<1x!tpu.dma_semaphore, #tpu.memory_space<semaphore_mem>>
    %dma_wait3A_338 = tpu.memref_squeeze %dma_wait3A_337 : memref<1x!tpu.dma_semaphore, #tpu.memory_space<semaphore_mem>> -> memref<!tpu.dma_semaphore, #tpu.memory_space<semaphore_mem>>
    tpu.wait_indirect_dma semaphore(%dma_wait3A_338 : memref<!tpu.dma_semaphore, #tpu.memory_space<semaphore_mem>>) src(%dma_wait3A_336 : memref<8192x8192xf32, #tpu.memory_space<hbm>>) dst(%dma_wait3A_330 : memref<1x8192xf32, #tpu.memory_space<vmem>>)
    %add3A_339 = arith.constant 126 : i32
    %add3A_340 = arith.addi %mul3A_2, %add3A_339 : i32
    %dma_start3A_341 = arith.constant 6 : i32
    %dma_start3A_342 = arith.constant 6 : i32
    %dma_start3A_343 = arith.constant 0 : i32
    %dma_start3A_344 = arith.constant 0 : i32
    %dma_start3A_345 = tpu.memref_slice %arg6[%dma_start3A_341, %dma_start3A_343, %dma_start3A_344] : memref<8x1x8192xf32, #tpu.memory_space<vmem>> -> memref<1x1x8192xf32, #tpu.memory_space<vmem>>
    %dma_start3A_346 = tpu.memref_squeeze %dma_start3A_345 : memref<1x1x8192xf32, #tpu.memory_space<vmem>> -> memref<1x8192xf32, #tpu.memory_space<vmem>>
    %dma_start3A_347 = arith.constant 0 : i32
    %dma_start3A_348 = tpu.memref_slice %arg4[%add3A_340, %dma_start3A_347] : memref<4096x8192xf32, #tpu.memory_space<hbm>> -> memref<1x8192xf32, #tpu.memory_space<hbm>>
    %dma_start3A_349 = tpu.memref_slice %arg8[%dma_start3A_342] : memref<8x!tpu.dma_semaphore, #tpu.memory_space<semaphore_mem>> -> memref<1x!tpu.dma_semaphore, #tpu.memory_space<semaphore_mem>>
    %dma_start3A_350 = tpu.memref_squeeze %dma_start3A_349 : memref<1x!tpu.dma_semaphore, #tpu.memory_space<semaphore_mem>> -> memref<!tpu.dma_semaphore, #tpu.memory_space<semaphore_mem>>
    %dma_start3A_351 = arith.constant 0 : i32
    %dma_start3A_352 = tpu.memref_slice %arg4[%add3A_340, %dma_start3A_351] : memref<4096x8192xf32, #tpu.memory_space<hbm>> -> memref<1x8192xf32, #tpu.memory_space<hbm>>
    %dma_start3A_353 = arith.constant 0 : i32
    %dma_start3A_354 = arith.constant 0 : i32
    %dma_start3A_355 = tpu.memref_slice %arg6[%dma_start3A_341, %dma_start3A_353, %dma_start3A_354] : memref<8x1x8192xf32, #tpu.memory_space<vmem>> -> memref<1x1x8192xf32, #tpu.memory_space<vmem>>
    %dma_start3A_356 = tpu.memref_squeeze %dma_start3A_355 : memref<1x1x8192xf32, #tpu.memory_space<vmem>> -> memref<1x8192xf32, #tpu.memory_space<vmem>>
    tpu.enqueue_dma source(%dma_start3A_356 : memref<1x8192xf32, #tpu.memory_space<vmem>>) target(%dma_start3A_352 : memref<1x8192xf32, #tpu.memory_space<hbm>>) target_semaphore(%dma_start3A_350 : memref<!tpu.dma_semaphore, #tpu.memory_space<semaphore_mem>>)
    %dma_wait3A_357 = arith.constant 127 : i32
    %dma_wait3A_358 = arith.constant 7 : i32
    %dma_wait3A_359 = arith.constant 7 : i32
    %dma_wait3A_360 = arith.constant 0 : i32
    %dma_wait3A_361 = arith.constant 0 : i32
    %dma_wait3A_362 = tpu.memref_slice %arg6[%dma_wait3A_358, %dma_wait3A_360, %dma_wait3A_361] : memref<8x1x8192xf32, #tpu.memory_space<vmem>> -> memref<1x1x8192xf32, #tpu.memory_space<vmem>>
    %dma_wait3A_363 = tpu.memref_squeeze %dma_wait3A_362 : memref<1x1x8192xf32, #tpu.memory_space<vmem>> -> memref<1x8192xf32, #tpu.memory_space<vmem>>
    %dma_wait3A_364 = arith.constant 0 : i32
    %dma_wait3A_365 = tpu.memref_slice %arg5[%dma_wait3A_357, %dma_wait3A_364] : memref<128x1xi32, #tpu.memory_space<vmem>> -> memref<1x1xi32, #tpu.memory_space<vmem>>
    %dma_wait3A_366 = tpu.memref_squeeze %dma_wait3A_365 : memref<1x1xi32, #tpu.memory_space<vmem>> -> memref<1xi32, #tpu.memory_space<vmem>>
    %dma_wait3A_367 = arith.constant 0 : i32
    %dma_wait3A_368 = arith.constant 0 : i32
    %dma_wait3A_369 = tpu.memref_slice %arg2[%dma_wait3A_367, %dma_wait3A_368] : memref<8192x8192xf32, #tpu.memory_space<hbm>> -> memref<8192x8192xf32, #tpu.memory_space<hbm>>
    %dma_wait3A_370 = tpu.memref_slice %arg7[%dma_wait3A_359] : memref<8x!tpu.dma_semaphore, #tpu.memory_space<semaphore_mem>> -> memref<1x!tpu.dma_semaphore, #tpu.memory_space<semaphore_mem>>
    %dma_wait3A_371 = tpu.memref_squeeze %dma_wait3A_370 : memref<1x!tpu.dma_semaphore, #tpu.memory_space<semaphore_mem>> -> memref<!tpu.dma_semaphore, #tpu.memory_space<semaphore_mem>>
    tpu.wait_indirect_dma semaphore(%dma_wait3A_371 : memref<!tpu.dma_semaphore, #tpu.memory_space<semaphore_mem>>) src(%dma_wait3A_369 : memref<8192x8192xf32, #tpu.memory_space<hbm>>) dst(%dma_wait3A_363 : memref<1x8192xf32, #tpu.memory_space<vmem>>)
    %add3A_372 = arith.constant 127 : i32
    %add3A_373 = arith.addi %mul3A_2, %add3A_372 : i32
    %dma_start3A_374 = arith.constant 7 : i32
    %dma_start3A_375 = arith.constant 7 : i32
    %dma_start3A_376 = arith.constant 0 : i32
    %dma_start3A_377 = arith.constant 0 : i32
    %dma_start3A_378 = tpu.memref_slice %arg6[%dma_start3A_374, %dma_start3A_376, %dma_start3A_377] : memref<8x1x8192xf32, #tpu.memory_space<vmem>> -> memref<1x1x8192xf32, #tpu.memory_space<vmem>>
    %dma_start3A_379 = tpu.memref_squeeze %dma_start3A_378 : memref<1x1x8192xf32, #tpu.memory_space<vmem>> -> memref<1x8192xf32, #tpu.memory_space<vmem>>
    %dma_start3A_380 = arith.constant 0 : i32
    %dma_start3A_381 = tpu.memref_slice %arg4[%add3A_373, %dma_start3A_380] : memref<4096x8192xf32, #tpu.memory_space<hbm>> -> memref<1x8192xf32, #tpu.memory_space<hbm>>
    %dma_start3A_382 = tpu.memref_slice %arg8[%dma_start3A_375] : memref<8x!tpu.dma_semaphore, #tpu.memory_space<semaphore_mem>> -> memref<1x!tpu.dma_semaphore, #tpu.memory_space<semaphore_mem>>
    %dma_start3A_383 = tpu.memref_squeeze %dma_start3A_382 : memref<1x!tpu.dma_semaphore, #tpu.memory_space<semaphore_mem>> -> memref<!tpu.dma_semaphore, #tpu.memory_space<semaphore_mem>>
    %dma_start3A_384 = arith.constant 0 : i32
    %dma_start3A_385 = tpu.memref_slice %arg4[%add3A_373, %dma_start3A_384] : memref<4096x8192xf32, #tpu.memory_space<hbm>> -> memref<1x8192xf32, #tpu.memory_space<hbm>>
    %dma_start3A_386 = arith.constant 0 : i32
    %dma_start3A_387 = arith.constant 0 : i32
    %dma_start3A_388 = tpu.memref_slice %arg6[%dma_start3A_374, %dma_start3A_386, %dma_start3A_387] : memref<8x1x8192xf32, #tpu.memory_space<vmem>> -> memref<1x1x8192xf32, #tpu.memory_space<vmem>>
    %dma_start3A_389 = tpu.memref_squeeze %dma_start3A_388 : memref<1x1x8192xf32, #tpu.memory_space<vmem>> -> memref<1x8192xf32, #tpu.memory_space<vmem>>
    tpu.enqueue_dma source(%dma_start3A_389 : memref<1x8192xf32, #tpu.memory_space<vmem>>) target(%dma_start3A_385 : memref<1x8192xf32, #tpu.memory_space<hbm>>) target_semaphore(%dma_start3A_383 : memref<!tpu.dma_semaphore, #tpu.memory_space<semaphore_mem>>)
    %add3A_390 = arith.constant 120 : i32
    %add3A_391 = arith.addi %mul3A_2, %add3A_390 : i32
    %dma_wait3A_392 = arith.constant 0 : i32
    %dma_wait3A_393 = arith.constant 0 : i32
    %dma_wait3A_394 = arith.constant 0 : i32
    %dma_wait3A_395 = arith.constant 0 : i32
    %dma_wait3A_396 = tpu.memref_slice %arg6[%dma_wait3A_392, %dma_wait3A_394, %dma_wait3A_395] : memref<8x1x8192xf32, #tpu.memory_space<vmem>> -> memref<1x1x8192xf32, #tpu.memory_space<vmem>>
    %dma_wait3A_397 = tpu.memref_squeeze %dma_wait3A_396 : memref<1x1x8192xf32, #tpu.memory_space<vmem>> -> memref<1x8192xf32, #tpu.memory_space<vmem>>
    %dma_wait3A_398 = arith.constant 0 : i32
    %dma_wait3A_399 = tpu.memref_slice %arg4[%add3A_391, %dma_wait3A_398] : memref<4096x8192xf32, #tpu.memory_space<hbm>> -> memref<1x8192xf32, #tpu.memory_space<hbm>>
    %dma_wait3A_400 = tpu.memref_slice %arg8[%dma_wait3A_393] : memref<8x!tpu.dma_semaphore, #tpu.memory_space<semaphore_mem>> -> memref<1x!tpu.dma_semaphore, #tpu.memory_space<semaphore_mem>>
    %dma_wait3A_401 = tpu.memref_squeeze %dma_wait3A_400 : memref<1x!tpu.dma_semaphore, #tpu.memory_space<semaphore_mem>> -> memref<!tpu.dma_semaphore, #tpu.memory_space<semaphore_mem>>
    %dma_wait3A_402 = arith.constant 0 : i32
    %dma_wait3A_403 = tpu.memref_slice %arg4[%add3A_391, %dma_wait3A_402] : memref<4096x8192xf32, #tpu.memory_space<hbm>> -> memref<1x8192xf32, #tpu.memory_space<hbm>>
    %dma_wait3A_404 = arith.constant 0 : i32
    %dma_wait3A_405 = arith.constant 0 : i32
    %dma_wait3A_406 = tpu.memref_slice %arg6[%dma_wait3A_392, %dma_wait3A_404, %dma_wait3A_405] : memref<8x1x8192xf32, #tpu.memory_space<vmem>> -> memref<1x1x8192xf32, #tpu.memory_space<vmem>>
    %dma_wait3A_407 = tpu.memref_squeeze %dma_wait3A_406 : memref<1x1x8192xf32, #tpu.memory_space<vmem>> -> memref<1x8192xf32, #tpu.memory_space<vmem>>
    tpu.wait_dma2 semaphore(%dma_wait3A_401 : memref<!tpu.dma_semaphore, #tpu.memory_space<semaphore_mem>>) src(%dma_wait3A_407 : memref<1x8192xf32, #tpu.memory_space<vmem>>) dst(%dma_wait3A_403 : memref<1x8192xf32, #tpu.memory_space<hbm>>)
    %add3A_408 = arith.constant 121 : i32
    %add3A_409 = arith.addi %mul3A_2, %add3A_408 : i32
    %dma_wait3A_410 = arith.constant 1 : i32
    %dma_wait3A_411 = arith.constant 1 : i32
    %dma_wait3A_412 = arith.constant 0 : i32
    %dma_wait3A_413 = arith.constant 0 : i32
    %dma_wait3A_414 = tpu.memref_slice %arg6[%dma_wait3A_410, %dma_wait3A_412, %dma_wait3A_413] : memref<8x1x8192xf32, #tpu.memory_space<vmem>> -> memref<1x1x8192xf32, #tpu.memory_space<vmem>>
    %dma_wait3A_415 = tpu.memref_squeeze %dma_wait3A_414 : memref<1x1x8192xf32, #tpu.memory_space<vmem>> -> memref<1x8192xf32, #tpu.memory_space<vmem>>
    %dma_wait3A_416 = arith.constant 0 : i32
    %dma_wait3A_417 = tpu.memref_slice %arg4[%add3A_409, %dma_wait3A_416] : memref<4096x8192xf32, #tpu.memory_space<hbm>> -> memref<1x8192xf32, #tpu.memory_space<hbm>>
    %dma_wait3A_418 = tpu.memref_slice %arg8[%dma_wait3A_411] : memref<8x!tpu.dma_semaphore, #tpu.memory_space<semaphore_mem>> -> memref<1x!tpu.dma_semaphore, #tpu.memory_space<semaphore_mem>>
    %dma_wait3A_419 = tpu.memref_squeeze %dma_wait3A_418 : memref<1x!tpu.dma_semaphore, #tpu.memory_space<semaphore_mem>> -> memref<!tpu.dma_semaphore, #tpu.memory_space<semaphore_mem>>
    %dma_wait3A_420 = arith.constant 0 : i32
    %dma_wait3A_421 = tpu.memref_slice %arg4[%add3A_409, %dma_wait3A_420] : memref<4096x8192xf32, #tpu.memory_space<hbm>> -> memref<1x8192xf32, #tpu.memory_space<hbm>>
    %dma_wait3A_422 = arith.constant 0 : i32
    %dma_wait3A_423 = arith.constant 0 : i32
    %dma_wait3A_424 = tpu.memref_slice %arg6[%dma_wait3A_410, %dma_wait3A_422, %dma_wait3A_423] : memref<8x1x8192xf32, #tpu.memory_space<vmem>> -> memref<1x1x8192xf32, #tpu.memory_space<vmem>>
    %dma_wait3A_425 = tpu.memref_squeeze %dma_wait3A_424 : memref<1x1x8192xf32, #tpu.memory_space<vmem>> -> memref<1x8192xf32, #tpu.memory_space<vmem>>
    tpu.wait_dma2 semaphore(%dma_wait3A_419 : memref<!tpu.dma_semaphore, #tpu.memory_space<semaphore_mem>>) src(%dma_wait3A_425 : memref<1x8192xf32, #tpu.memory_space<vmem>>) dst(%dma_wait3A_421 : memref<1x8192xf32, #tpu.memory_space<hbm>>)
    %add3A_426 = arith.constant 122 : i32
    %add3A_427 = arith.addi %mul3A_2, %add3A_426 : i32
    %dma_wait3A_428 = arith.constant 2 : i32
    %dma_wait3A_429 = arith.constant 2 : i32
    %dma_wait3A_430 = arith.constant 0 : i32
    %dma_wait3A_431 = arith.constant 0 : i32
    %dma_wait3A_432 = tpu.memref_slice %arg6[%dma_wait3A_428, %dma_wait3A_430, %dma_wait3A_431] : memref<8x1x8192xf32, #tpu.memory_space<vmem>> -> memref<1x1x8192xf32, #tpu.memory_space<vmem>>
    %dma_wait3A_433 = tpu.memref_squeeze %dma_wait3A_432 : memref<1x1x8192xf32, #tpu.memory_space<vmem>> -> memref<1x8192xf32, #tpu.memory_space<vmem>>
    %dma_wait3A_434 = arith.constant 0 : i32
    %dma_wait3A_435 = tpu.memref_slice %arg4[%add3A_427, %dma_wait3A_434] : memref<4096x8192xf32, #tpu.memory_space<hbm>> -> memref<1x8192xf32, #tpu.memory_space<hbm>>
    %dma_wait3A_436 = tpu.memref_slice %arg8[%dma_wait3A_429] : memref<8x!tpu.dma_semaphore, #tpu.memory_space<semaphore_mem>> -> memref<1x!tpu.dma_semaphore, #tpu.memory_space<semaphore_mem>>
    %dma_wait3A_437 = tpu.memref_squeeze %dma_wait3A_436 : memref<1x!tpu.dma_semaphore, #tpu.memory_space<semaphore_mem>> -> memref<!tpu.dma_semaphore, #tpu.memory_space<semaphore_mem>>
    %dma_wait3A_438 = arith.constant 0 : i32
    %dma_wait3A_439 = tpu.memref_slice %arg4[%add3A_427, %dma_wait3A_438] : memref<4096x8192xf32, #tpu.memory_space<hbm>> -> memref<1x8192xf32, #tpu.memory_space<hbm>>
    %dma_wait3A_440 = arith.constant 0 : i32
    %dma_wait3A_441 = arith.constant 0 : i32
    %dma_wait3A_442 = tpu.memref_slice %arg6[%dma_wait3A_428, %dma_wait3A_440, %dma_wait3A_441] : memref<8x1x8192xf32, #tpu.memory_space<vmem>> -> memref<1x1x8192xf32, #tpu.memory_space<vmem>>
    %dma_wait3A_443 = tpu.memref_squeeze %dma_wait3A_442 : memref<1x1x8192xf32, #tpu.memory_space<vmem>> -> memref<1x8192xf32, #tpu.memory_space<vmem>>
    tpu.wait_dma2 semaphore(%dma_wait3A_437 : memref<!tpu.dma_semaphore, #tpu.memory_space<semaphore_mem>>) src(%dma_wait3A_443 : memref<1x8192xf32, #tpu.memory_space<vmem>>) dst(%dma_wait3A_439 : memref<1x8192xf32, #tpu.memory_space<hbm>>)
    %add3A_444 = arith.constant 123 : i32
    %add3A_445 = arith.addi %mul3A_2, %add3A_444 : i32
    %dma_wait3A_446 = arith.constant 3 : i32
    %dma_wait3A_447 = arith.constant 3 : i32
    %dma_wait3A_448 = arith.constant 0 : i32
    %dma_wait3A_449 = arith.constant 0 : i32
    %dma_wait3A_450 = tpu.memref_slice %arg6[%dma_wait3A_446, %dma_wait3A_448, %dma_wait3A_449] : memref<8x1x8192xf32, #tpu.memory_space<vmem>> -> memref<1x1x8192xf32, #tpu.memory_space<vmem>>
    %dma_wait3A_451 = tpu.memref_squeeze %dma_wait3A_450 : memref<1x1x8192xf32, #tpu.memory_space<vmem>> -> memref<1x8192xf32, #tpu.memory_space<vmem>>
    %dma_wait3A_452 = arith.constant 0 : i32
    %dma_wait3A_453 = tpu.memref_slice %arg4[%add3A_445, %dma_wait3A_452] : memref<4096x8192xf32, #tpu.memory_space<hbm>> -> memref<1x8192xf32, #tpu.memory_space<hbm>>
    %dma_wait3A_454 = tpu.memref_slice %arg8[%dma_wait3A_447] : memref<8x!tpu.dma_semaphore, #tpu.memory_space<semaphore_mem>> -> memref<1x!tpu.dma_semaphore, #tpu.memory_space<semaphore_mem>>
    %dma_wait3A_455 = tpu.memref_squeeze %dma_wait3A_454 : memref<1x!tpu.dma_semaphore, #tpu.memory_space<semaphore_mem>> -> memref<!tpu.dma_semaphore, #tpu.memory_space<semaphore_mem>>
    %dma_wait3A_456 = arith.constant 0 : i32
    %dma_wait3A_457 = tpu.memref_slice %arg4[%add3A_445, %dma_wait3A_456] : memref<4096x8192xf32, #tpu.memory_space<hbm>> -> memref<1x8192xf32, #tpu.memory_space<hbm>>
    %dma_wait3A_458 = arith.constant 0 : i32
    %dma_wait3A_459 = arith.constant 0 : i32
    %dma_wait3A_460 = tpu.memref_slice %arg6[%dma_wait3A_446, %dma_wait3A_458, %dma_wait3A_459] : memref<8x1x8192xf32, #tpu.memory_space<vmem>> -> memref<1x1x8192xf32, #tpu.memory_space<vmem>>
    %dma_wait3A_461 = tpu.memref_squeeze %dma_wait3A_460 : memref<1x1x8192xf32, #tpu.memory_space<vmem>> -> memref<1x8192xf32, #tpu.memory_space<vmem>>
    tpu.wait_dma2 semaphore(%dma_wait3A_455 : memref<!tpu.dma_semaphore, #tpu.memory_space<semaphore_mem>>) src(%dma_wait3A_461 : memref<1x8192xf32, #tpu.memory_space<vmem>>) dst(%dma_wait3A_457 : memref<1x8192xf32, #tpu.memory_space<hbm>>)
    %add3A_462 = arith.constant 124 : i32
    %add3A_463 = arith.addi %mul3A_2, %add3A_462 : i32
    %dma_wait3A_464 = arith.constant 4 : i32
    %dma_wait3A_465 = arith.constant 4 : i32
    %dma_wait3A_466 = arith.constant 0 : i32
    %dma_wait3A_467 = arith.constant 0 : i32
    %dma_wait3A_468 = tpu.memref_slice %arg6[%dma_wait3A_464, %dma_wait3A_466, %dma_wait3A_467] : memref<8x1x8192xf32, #tpu.memory_space<vmem>> -> memref<1x1x8192xf32, #tpu.memory_space<vmem>>
    %dma_wait3A_469 = tpu.memref_squeeze %dma_wait3A_468 : memref<1x1x8192xf32, #tpu.memory_space<vmem>> -> memref<1x8192xf32, #tpu.memory_space<vmem>>
    %dma_wait3A_470 = arith.constant 0 : i32
    %dma_wait3A_471 = tpu.memref_slice %arg4[%add3A_463, %dma_wait3A_470] : memref<4096x8192xf32, #tpu.memory_space<hbm>> -> memref<1x8192xf32, #tpu.memory_space<hbm>>
    %dma_wait3A_472 = tpu.memref_slice %arg8[%dma_wait3A_465] : memref<8x!tpu.dma_semaphore, #tpu.memory_space<semaphore_mem>> -> memref<1x!tpu.dma_semaphore, #tpu.memory_space<semaphore_mem>>
    %dma_wait3A_473 = tpu.memref_squeeze %dma_wait3A_472 : memref<1x!tpu.dma_semaphore, #tpu.memory_space<semaphore_mem>> -> memref<!tpu.dma_semaphore, #tpu.memory_space<semaphore_mem>>
    %dma_wait3A_474 = arith.constant 0 : i32
    %dma_wait3A_475 = tpu.memref_slice %arg4[%add3A_463, %dma_wait3A_474] : memref<4096x8192xf32, #tpu.memory_space<hbm>> -> memref<1x8192xf32, #tpu.memory_space<hbm>>
    %dma_wait3A_476 = arith.constant 0 : i32
    %dma_wait3A_477 = arith.constant 0 : i32
    %dma_wait3A_478 = tpu.memref_slice %arg6[%dma_wait3A_464, %dma_wait3A_476, %dma_wait3A_477] : memref<8x1x8192xf32, #tpu.memory_space<vmem>> -> memref<1x1x8192xf32, #tpu.memory_space<vmem>>
    %dma_wait3A_479 = tpu.memref_squeeze %dma_wait3A_478 : memref<1x1x8192xf32, #tpu.memory_space<vmem>> -> memref<1x8192xf32, #tpu.memory_space<vmem>>
    tpu.wait_dma2 semaphore(%dma_wait3A_473 : memref<!tpu.dma_semaphore, #tpu.memory_space<semaphore_mem>>) src(%dma_wait3A_479 : memref<1x8192xf32, #tpu.memory_space<vmem>>) dst(%dma_wait3A_475 : memref<1x8192xf32, #tpu.memory_space<hbm>>)
    %add3A_480 = arith.constant 125 : i32
    %add3A_481 = arith.addi %mul3A_2, %add3A_480 : i32
    %dma_wait3A_482 = arith.constant 5 : i32
    %dma_wait3A_483 = arith.constant 5 : i32
    %dma_wait3A_484 = arith.constant 0 : i32
    %dma_wait3A_485 = arith.constant 0 : i32
    %dma_wait3A_486 = tpu.memref_slice %arg6[%dma_wait3A_482, %dma_wait3A_484, %dma_wait3A_485] : memref<8x1x8192xf32, #tpu.memory_space<vmem>> -> memref<1x1x8192xf32, #tpu.memory_space<vmem>>
    %dma_wait3A_487 = tpu.memref_squeeze %dma_wait3A_486 : memref<1x1x8192xf32, #tpu.memory_space<vmem>> -> memref<1x8192xf32, #tpu.memory_space<vmem>>
    %dma_wait3A_488 = arith.constant 0 : i32
    %dma_wait3A_489 = tpu.memref_slice %arg4[%add3A_481, %dma_wait3A_488] : memref<4096x8192xf32, #tpu.memory_space<hbm>> -> memref<1x8192xf32, #tpu.memory_space<hbm>>
    %dma_wait3A_490 = tpu.memref_slice %arg8[%dma_wait3A_483] : memref<8x!tpu.dma_semaphore, #tpu.memory_space<semaphore_mem>> -> memref<1x!tpu.dma_semaphore, #tpu.memory_space<semaphore_mem>>
    %dma_wait3A_491 = tpu.memref_squeeze %dma_wait3A_490 : memref<1x!tpu.dma_semaphore, #tpu.memory_space<semaphore_mem>> -> memref<!tpu.dma_semaphore, #tpu.memory_space<semaphore_mem>>
    %dma_wait3A_492 = arith.constant 0 : i32
    %dma_wait3A_493 = tpu.memref_slice %arg4[%add3A_481, %dma_wait3A_492] : memref<4096x8192xf32, #tpu.memory_space<hbm>> -> memref<1x8192xf32, #tpu.memory_space<hbm>>
    %dma_wait3A_494 = arith.constant 0 : i32
    %dma_wait3A_495 = arith.constant 0 : i32
    %dma_wait3A_496 = tpu.memref_slice %arg6[%dma_wait3A_482, %dma_wait3A_494, %dma_wait3A_495] : memref<8x1x8192xf32, #tpu.memory_space<vmem>> -> memref<1x1x8192xf32, #tpu.memory_space<vmem>>
    %dma_wait3A_497 = tpu.memref_squeeze %dma_wait3A_496 : memref<1x1x8192xf32, #tpu.memory_space<vmem>> -> memref<1x8192xf32, #tpu.memory_space<vmem>>
    tpu.wait_dma2 semaphore(%dma_wait3A_491 : memref<!tpu.dma_semaphore, #tpu.memory_space<semaphore_mem>>) src(%dma_wait3A_497 : memref<1x8192xf32, #tpu.memory_space<vmem>>) dst(%dma_wait3A_493 : memref<1x8192xf32, #tpu.memory_space<hbm>>)
    %add3A_498 = arith.constant 126 : i32
    %add3A_499 = arith.addi %mul3A_2, %add3A_498 : i32
    %dma_wait3A_500 = arith.constant 6 : i32
    %dma_wait3A_501 = arith.constant 6 : i32
    %dma_wait3A_502 = arith.constant 0 : i32
    %dma_wait3A_503 = arith.constant 0 : i32
    %dma_wait3A_504 = tpu.memref_slice %arg6[%dma_wait3A_500, %dma_wait3A_502, %dma_wait3A_503] : memref<8x1x8192xf32, #tpu.memory_space<vmem>> -> memref<1x1x8192xf32, #tpu.memory_space<vmem>>
    %dma_wait3A_505 = tpu.memref_squeeze %dma_wait3A_504 : memref<1x1x8192xf32, #tpu.memory_space<vmem>> -> memref<1x8192xf32, #tpu.memory_space<vmem>>
    %dma_wait3A_506 = arith.constant 0 : i32
    %dma_wait3A_507 = tpu.memref_slice %arg4[%add3A_499, %dma_wait3A_506] : memref<4096x8192xf32, #tpu.memory_space<hbm>> -> memref<1x8192xf32, #tpu.memory_space<hbm>>
    %dma_wait3A_508 = tpu.memref_slice %arg8[%dma_wait3A_501] : memref<8x!tpu.dma_semaphore, #tpu.memory_space<semaphore_mem>> -> memref<1x!tpu.dma_semaphore, #tpu.memory_space<semaphore_mem>>
    %dma_wait3A_509 = tpu.memref_squeeze %dma_wait3A_508 : memref<1x!tpu.dma_semaphore, #tpu.memory_space<semaphore_mem>> -> memref<!tpu.dma_semaphore, #tpu.memory_space<semaphore_mem>>
    %dma_wait3A_510 = arith.constant 0 : i32
    %dma_wait3A_511 = tpu.memref_slice %arg4[%add3A_499, %dma_wait3A_510] : memref<4096x8192xf32, #tpu.memory_space<hbm>> -> memref<1x8192xf32, #tpu.memory_space<hbm>>
    %dma_wait3A_512 = arith.constant 0 : i32
    %dma_wait3A_513 = arith.constant 0 : i32
    %dma_wait3A_514 = tpu.memref_slice %arg6[%dma_wait3A_500, %dma_wait3A_512, %dma_wait3A_513] : memref<8x1x8192xf32, #tpu.memory_space<vmem>> -> memref<1x1x8192xf32, #tpu.memory_space<vmem>>
    %dma_wait3A_515 = tpu.memref_squeeze %dma_wait3A_514 : memref<1x1x8192xf32, #tpu.memory_space<vmem>> -> memref<1x8192xf32, #tpu.memory_space<vmem>>
    tpu.wait_dma2 semaphore(%dma_wait3A_509 : memref<!tpu.dma_semaphore, #tpu.memory_space<semaphore_mem>>) src(%dma_wait3A_515 : memref<1x8192xf32, #tpu.memory_space<vmem>>) dst(%dma_wait3A_511 : memref<1x8192xf32, #tpu.memory_space<hbm>>)
    %add3A_516 = arith.constant 127 : i32
    %add3A_517 = arith.addi %mul3A_2, %add3A_516 : i32
    %dma_wait3A_518 = arith.constant 7 : i32
    %dma_wait3A_519 = arith.constant 7 : i32
    %dma_wait3A_520 = arith.constant 0 : i32
    %dma_wait3A_521 = arith.constant 0 : i32
    %dma_wait3A_522 = tpu.memref_slice %arg6[%dma_wait3A_518, %dma_wait3A_520, %dma_wait3A_521] : memref<8x1x8192xf32, #tpu.memory_space<vmem>> -> memref<1x1x8192xf32, #tpu.memory_space<vmem>>
    %dma_wait3A_523 = tpu.memref_squeeze %dma_wait3A_522 : memref<1x1x8192xf32, #tpu.memory_space<vmem>> -> memref<1x8192xf32, #tpu.memory_space<vmem>>
    %dma_wait3A_524 = arith.constant 0 : i32
    %dma_wait3A_525 = tpu.memref_slice %arg4[%add3A_517, %dma_wait3A_524] : memref<4096x8192xf32, #tpu.memory_space<hbm>> -> memref<1x8192xf32, #tpu.memory_space<hbm>>
    %dma_wait3A_526 = tpu.memref_slice %arg8[%dma_wait3A_519] : memref<8x!tpu.dma_semaphore, #tpu.memory_space<semaphore_mem>> -> memref<1x!tpu.dma_semaphore, #tpu.memory_space<semaphore_mem>>
    %dma_wait3A_527 = tpu.memref_squeeze %dma_wait3A_526 : memref<1x!tpu.dma_semaphore, #tpu.memory_space<semaphore_mem>> -> memref<!tpu.dma_semaphore, #tpu.memory_space<semaphore_mem>>
    %dma_wait3A_528 = arith.constant 0 : i32
    %dma_wait3A_529 = tpu.memref_slice %arg4[%add3A_517, %dma_wait3A_528] : memref<4096x8192xf32, #tpu.memory_space<hbm>> -> memref<1x8192xf32, #tpu.memory_space<hbm>>
    %dma_wait3A_530 = arith.constant 0 : i32
    %dma_wait3A_531 = arith.constant 0 : i32
    %dma_wait3A_532 = tpu.memref_slice %arg6[%dma_wait3A_518, %dma_wait3A_530, %dma_wait3A_531] : memref<8x1x8192xf32, #tpu.memory_space<vmem>> -> memref<1x1x8192xf32, #tpu.memory_space<vmem>>
    %dma_wait3A_533 = tpu.memref_squeeze %dma_wait3A_532 : memref<1x1x8192xf32, #tpu.memory_space<vmem>> -> memref<1x8192xf32, #tpu.memory_space<vmem>>
    tpu.wait_dma2 semaphore(%dma_wait3A_527 : memref<!tpu.dma_semaphore, #tpu.memory_space<semaphore_mem>>) src(%dma_wait3A_533 : memref<1x8192xf32, #tpu.memory_space<vmem>>) dst(%dma_wait3A_529 : memref<1x8192xf32, #tpu.memory_space<hbm>>)
    return
  }
}

</mosaic_0001>

<sc_bundles>
// kernel: kernel.3.cloned.1.call-start
scs
__scs_entry_jumppad:
0x0: {  	(pc) =	sbr.rel $0x88, $3  }
0x1: {  	(tag) =	ssettag $0x0;
	lr =	simm.s32 $0x1  }
0x2: {  	[smem:$0x3F9F] =	sst lr;
	_ =	strace $0xD0000000  }
0x3: {  	_ = 	snop  }
0x4: {  	_ = 	snop  }
0x5: {  	_ = 	snop  }
0x6: {  	_ = 	snop  }
0x7: {  	_ = 	snop  }
__scs_overlays_trampoline_lowered:
0x8: {  	[smem:$0x3FAE] =	sst s0  }
0x9: {  	[smem:$0x3FAF] =	sst s1  }
0xa: {  	[smem:$0x3FB0] =	sst s2  }
0xb: {  	[smem:$0x3FB1] =	sst s3  }
0xc: {  	[smem:$0x3FB2] =	sst s4  }
0xd: {  	[smem:$0x3FB3] =	sst s5  }
0xe: {  	[smem:$0x3FB4] =	sst s6  }
0xf: {  	[smem:$0x3FB5] =	sst s7  }
0x10: {  	[smem:$0x3FB6] =	sst s8  }
0x11: {  	[smem:$0x3FB7] =	sst s9;
	s0 =	simm.s32 @!p0 $0x0  }
0x12: {  	s1 =	sld [smem:$0x3F9D];
	s0 =	simm.s32 @p0 $0x1  }
0x13: {  	[smem:$0x3FB8] =	sst s0;
	s0 =	simm.s32 @!p1 $0x0  }
0x14: {  	s2 =	sld [smem:$0x3F9C];
	s0 =	simm.s32 @p1 $0x1  }
0x15: {  	[smem:$0x3FB9] =	sst s0;
	s0 =	simm.s32 @!p2 $0x0  }
0x16: {  	s3 =	sld [smem:$0x3FDB];
	s0 =	simm.s32 @p2 $0x1  }
0x17: {  	s4 =	simm.s32 $0x1BF5;
	[smem:$0x3FBB] =	sst s0  }
0x18: {  	s0 =	sld [smem:$0x3F9E];
	_ =	swait.ge [sflag:s4], $0x0  }
0x19: {  	s7 =	sld [smem:$0x3F9F]  }
0x1a: {  	s8 =	sadd.s32 $0xFFFFE003, lr  }
0x1b: {  	s9 =	sadd.s32 $0xFFFFFEF7, lr;
	s5 =	simm.s32 $0xFFFFFFFF;
	p2 =	slt.u32 s8, $0xFFFFF086  }
0x1c: {  	p1 =	slt.u32 s9, $0xF7A;
	s5 =	simm.s32 @!p2 $0x0  }
0x1d: {  	s5 =	simm.s32 @p1 $0x1;
	p0 =	seq.s32 s7, s2  }
0x1e: {  	s7 =	smul.u32 @!p0 $0xF7A, s2;
	p2 =	seq.s32 @!p0 s5, $0x0  }
0x1f: {  	s9 =	smul.u32 $0xF7A, s1;
	s8 =	simm.s32 @!p0 $0x1BF5;
	p2 =	por !p2, p0  }
0x20: {  	[sflag:s8] =	ssyncset.s32 @!p0 $0xFFFFF086;
	s6 =	sadd.s32 @!p0 s3, s7;
	s7 =	simm.s32 @!p0 $0x108  }
0x21: {  	s3 =	sadd.s32 s3, s9;
	s6 =	sadd.s32 @!p0 $0x88, s6;
	s7 =	simm.s32 @p2 $0x1082  }
0x22: {  	[simem:s7], [sflag:s8] =	dma.local @!p0 [hbm:s6], $0xF7A  }
0x23: {  	s9 =	sor.u32 $0xD0000000, s2;
	s6 =	simm.s32 $0x108;
	_ =	swait.ge @!p0 [sflag:s8], $0x0  }
0x24: {  	s3 =	sadd.s32 $0x88, s3;
	s6 =	simm.s32 @!p1 $0x1082;
	[sflag:s4] =	ssyncset.s32 $0xFFFFF086  }
0x25: {  	[simem:s6], [sflag:s4] =	dma.local [hbm:s3], $0xF7A  }
0x26: {  	[smem:$0x3F9F] =	sst s1;
	(tag) =	ssettag s2;
	_ =	strace s9  }
0x27: {  	s1 =	sld [smem:$0x3FAF]  }
0x28: {  	s2 =	sld [smem:$0x3FB0]  }
0x29: {  	s4 =	sld [smem:$0x3FB2]  }
0x2a: {  	p0 =	seq.s32 s5, $0x0;
	s5 =	sld [smem:$0x3FB3]  }
0x2b: {  	s6 =	sld [smem:$0x3FB4]  }
0x2c: {  	s7 =	sld [smem:$0x3FB5]  }
0x2d: {  	s3 =	simm.s32 $0x108;
	s8 =	sld [smem:$0x3FB6]  }
0x2e: {  	s3 =	simm.s32 @!p0 $0x1082;
	s9 =	sld [smem:$0x3FB7]  }
0x2f: {  	lr =	sadd.s32 s0, s3;
	s0 =	sld [smem:$0x3FAE]  }
0x30: {  	s3 =	sld [smem:$0x3FB1]  }
0x31: {  	[smem:$0x3FBA] =	sst s10  }
0x32: {  	s10 =	sld [smem:$0x3FB8];
	_ =	sdelay $0x3  }
0x33: {  	p0 =	seq.s32 s10, $0x1;
	s10 =	sld [smem:$0x3FBA];
	_ =	sdelay $0x3  }
0x34: {  	[smem:$0x3FBA] =	sst s10  }
0x35: {  	s10 =	sld [smem:$0x3FB9];
	_ =	sdelay $0x3  }
0x36: {  	p1 =	seq.s32 s10, $0x1;
	s10 =	sld [smem:$0x3FBA];
	_ =	sdelay $0x3  }
0x37: {  	[smem:$0x3FBA] =	sst s10  }
0x38: {  	s10 =	sld [smem:$0x3FBB]  }
0x39: {  	_ = 	snop;
	(pc) =	sbr.ind lr, $3  }
0x3a: {  	_ = 	snop  }
0x3b: {  	_ = 	snop  }
0x3c: {  	p2 =	seq.s32 s10, $0x1;
	s10 =	sld [smem:$0x3FBA]  }
0x3d: {  	_ =	shalt  }
0x3e: {  	_ =	shalt  }
0x3f: {  	_ =	shalt  }
0x40: {  	_ =	shalt  }
0x41: {  	_ =	shalt  }
0x42: {  	_ =	shalt  }
0x43: {  	_ =	shalt  }
0x44: {  	_ =	shalt  }
0x45: {  	_ =	shalt  }
0x46: {  	_ =	shalt  }
0x47: {  	_ =	shalt  }
0x48: {  	_ =	shalt  }
0x49: {  	_ =	shalt  }
0x4a: {  	_ =	shalt  }
0x4b: {  	_ =	shalt  }
0x4c: {  	_ =	shalt  }
0x4d: {  	_ =	shalt  }
0x4e: {  	_ =	shalt  }
0x4f: {  	_ =	shalt  }
0x50: {  	_ =	shalt  }
0x51: {  	_ =	shalt  }
0x52: {  	_ =	shalt  }
0x53: {  	_ =	shalt  }
0x54: {  	_ =	shalt  }
0x55: {  	_ =	shalt  }
0x56: {  	_ =	shalt  }
0x57: {  	_ =	shalt  }
0x58: {  	_ =	shalt  }
0x59: {  	_ =	shalt  }
0x5a: {  	_ =	shalt  }
0x5b: {  	_ =	shalt  }
0x5c: {  	_ =	shalt  }
0x5d: {  	_ =	shalt  }
0x5e: {  	_ =	shalt  }
0x5f: {  	_ =	shalt  }
0x60: {  	_ =	shalt  }
0x61: {  	_ =	shalt  }
0x62: {  	_ =	shalt  }
0x63: {  	_ =	shalt  }
0x64: {  	_ =	shalt  }
0x65: {  	_ =	shalt  }
0x66: {  	_ =	shalt  }
0x67: {  	_ =	shalt  }
0x68: {  	_ =	shalt  }
0x69: {  	_ =	shalt  }
0x6a: {  	_ =	shalt  }
0x6b: {  	_ =	shalt  }
0x6c: {  	_ =	shalt  }
0x6d: {  	_ =	shalt  }
0x6e: {  	_ =	shalt  }
0x6f: {  	_ =	shalt  }
0x70: {  	_ =	shalt  }
0x71: {  	_ =	shalt  }
0x72: {  	_ =	shalt  }
0x73: {  	_ =	shalt  }
0x74: {  	_ =	shalt  }
0x75: {  	_ =	shalt  }
0x76: {  	_ =	shalt  }
0x77: {  	_ =	shalt  }
0x78: {  	_ =	shalt  }
0x79: {  	_ =	shalt  }
0x7a: {  	_ =	shalt  }
0x7b: {  	_ =	shalt  }
0x7c: {  	_ =	shalt  }
0x7d: {  	_ =	shalt  }
0x7e: {  	_ =	shalt  }
0x7f: {  	_ =	shalt  }
0x80: {  	_ =	shalt  }
0x81: {  	_ =	shalt  }
0x82: {  	_ =	shalt  }
0x83: {  	_ =	shalt  }
0x84: {  	_ =	shalt  }
0x85: {  	_ =	shalt  }
0x86: {  	_ =	shalt  }
0x87: {  	_ =	shalt  }
.Lfunc_end0:
.L_simem_size_0:
called_computation_lowered:
.L_overlay_start_0:
0x88: {  	s2 =	sld [smem:$0x3FD9]  }
0x89: {  	s3 =	sld [smem:$0x3FFE];
	_ =	sdelay $0x1  }
0x8a: {  	s1 =	srdreg.scid  }
0x8b: {  	s0 =	sand.u32 $0x1, s1  }
0x8c: {  	s17 =	sshll.u32 s0, $0xA;
	s2 =	sadd.s32 s3, s2  }
0x8d: {  	s2 =	sadd.s32 s2, s17  }
0x8e: {  	[smem:$0x3FC6] =	sst s2  }
0x8f: {  	_ = 	snop  }
0x90: {  	s2 =	sld [smem:$0x3FC8]  }
0x91: {  	s18 =	sld [smem:$0x3FD0];
	(tm) =	ssettm $0x1  }
0x92: {  	s4 =	sld [smem:$0x3FFB];
	_ =	sdelay $0x3  }
0x93: {  	_ =	strace s4  }
0x94: {  	s4 =	sld [smem:$0x3FFC];
	_ =	sdelay $0x3  }
0x95: {  	_ =	strace s4  }
0x96: {  	s4 =	sld [smem:$0x3FFD];
	_ =	sdelay $0x3  }
0x97: {  	_ =	strace s4  }
0x98: {  	_ =	strace $0x8FFFFFFF  }
0x99: {  	s19 =	sld [smem:$0x3FDB];
	_ =	sdelay $0x1  }
0x9a: {  	s5 =	simm.s32 $_scs_section_size  }
0x9b: {  	s6 =	simm.s32 $_size__tile_overlayer_lowered;
	s7 =	simm.s32 $_tile_overlayer_lowered  }
0x9c: {  	s22 =	simm.s32 $0x1BFF;
	s21 =	sshll.u32 s7, $0x1;
	s4 =	sadd.s32 s5, s19  }
0x9d: {  	s8 =	simm.s32 $0x0;
	s20 =	sshll.u32 s6, $0x1;
	s6 =	sadd.s32 s21, s4  }
0x9e: {  	[timem:s8], [sflag:s22] =	dma.local [hbm:s6], s20  }
0x9f: {  	_ =	swait.ge [sflag:s22], s20  }
0xa0: {  	s5 =	ssub.s32 $0x0, s20;
	[sflag:s22] =	ssyncset.done $0x0  }
0xa1: {  	[sflag:s22] =	ssyncadd.s32 s5;
	_ =	sdelay $0x1  }
0xa2: {  	s23 =	simm.s32 $0x1B8B  }
0xa3: {  	_ =	swait.ge [sflag:s23], $0x1  }
0xa4: {  	[sflag:s23] =	ssyncset.done $0x0  }
0xa5: {  	s25 =	simm.s32 $0x1B8E;
	s24 =	sld [smem:$0x3FFE];
	[sflag:s23] =	ssyncadd.s32 $0xFFFFFFFF  }
0xa6: {  	s26 =	simm.s32 $execute0_lowered;
	[smem:$0x3FD2] =	sst s25  }
0xa7: {  	s6 =	sshll.u32 s26, $0x1;
	_ =	strace $0x80000046;
	[dreg:$0x1] =	wrdreg $0xFFFFFFFF  }
0xa8: {  	s28 =	simm.s32 $_size_execute0_lowered;
	s4 =	sadd.s32 s4, s6;
	[dreg:$0x0] =	wrdreg $0x0  }
0xa9: {  	s6 =	sshll.u32 s28, $0x1;
	[dreg:$0x2] =	wrdreg s4  }
0xaa: {  	[dreg:$0x3] =	wrdreg s6  }
0xab: {  	[dreg:$0x4] =	wrdreg $0xC0  }
0xac: {  	_ =	task [dreg:s8], $0x5FFFF  }
0xad: {  	[dreg:$0x1] =	wrdreg $0xFFFFFFFF  }
0xae: {  	[dreg:$0x0] =	wrdreg $0x60  }
0xaf: {  	[dreg:$0x2] =	wrdreg s2  }
0xb0: {  	[dreg:$0x3] =	wrdreg s24  }
0xb1: {  	[dreg:$0x4] =	wrdreg s18  }
0xb2: {  	[dreg:$0x5] =	wrdreg $0x9  }
0xb3: {  	_ =	task.clear_ibuf [dreg:s8], $0x6FFFF;
	_ =	strace $0x90000046  }
0xb4: {  	s29 =	simm.s32 $0x9;
	_ =	strace $0x80000048  }
0xb5: {  	_ =	swait.ge [sflag:s29], $0x1  }
0xb6: {  	[sflag:s29] =	ssyncadd.s32 $0xFFFFFFFF  }
0xb7: {  	_ =	strace $0x90000048  }
0xb8: {  	_ =	sfence  }
0xb9: {  	s30 =	sld [smem:$0x0];
	_ =	sdelay $0x2  }
0xba: {  	s31 =	sshll.u32 s1, $0xD;
	s1 =	sshrl.u32 s1, $0x2  }
0xbb: {  	s3 =	sand.u32 $0x4000, s31;
	s1 =	sadd.s32 s1, s30  }
0xbc: {  	s0 =	sor.u32 s3, s0;
	s1 =	sshll.u32 s1, $0x11  }
0xbd: {  	s0 =	sor.u32 s1, s0  }
0xbe: {  	s0 =	sadd.s32 $0x8F2B, s0  }
0xbf: {  	[sflag:s0] =	ssyncadd.remote.s32 $0x1  }
0xc0: {  	_ =	sfence.sel $0xFFFF  }
0xc1: {  	[dreg:$0x0] =	wrdreg $0xFFFFFFFF;
	(pc) =	sbr.abs _section_cstart, $3  }
0xc2: {  	[dreg:$0x1] =	wrdreg $0xFFFFFFFF  }
0xc3: {  	_ =	task.clear_ibuf [dreg:s8], $0x2FFFF;
	_ =	strace $0x9FFFFFFF  }
0xc4: {  	(tm) =	ssettm $0x7FFFFFFF  }
0xc5: {  	_ =	shalt  }
tec
execute0_lowered:
.L_overlay_start_1:
0x0: {  	(tag) =	ssettag $0x1  }
0x1: {  	s2 =	rddreg [dreg:$0x0]  }
0x2: {  	s0 =	rddreg [dreg:$0x1]  }
0x3: {  	s1 =	rddreg [dreg:$0x2]  }
0x4: {  	s3 =	srdreg.scid;
	s9 =	stileid.u32;
	s15 =	simm.s32 $0xA000  }
0x5: {  	s30 =	simm.s32 $0xA800;
	s11 =	simm.s32 $0xE000;
	s12 =	simm.s32 $0xE800  }
0x6: {  	s13 =	simm.s32 $0x10000;
	s31 =	simm.s32 $0x80;
	s14 =	simm.s32 $0x0  }
0x7: {  	s29 =	simm.s32 $0x4;
	s4 =	sand.u32 $0x1, s3;
	s5 =	sshll.u32 s9, $0x1  }
0x8: {  	s3 =	simm.s32 $0x0;
	s18 =	sshll.u32 s9, $0x12;
	s9 =	simm.s32 $0xC800  }
0x9: {  	s6 =	sor.u32 s4, s5;
	s16 =	ssub.s32 $0x2, s4;
	[smem:$0x7FF] =	sst s3  }
0xa: {  	s5 =	sadd.s32 $0x800, s2;
	s7 =	sshll.u32 s6, $0xB;
	s17 =	sshll.u32 s6, $0x11  }
0xb: {  	s4 =	sshll.u32 s4, $0x11;
	s0 =	sadd.s32 s7, s0;
	s10 =	sadd.s32 s1, s17  }
0xc: {  	_ =	strace $0x80000047;
	s0 =	sadd.s32 $0x400, s0;
	[dreg:$0x6] =	wrdreg s10  }
0xd: {  	s8 =	sshrl.u32 s16, $0x1;
	s19 =	sadd.s32 $0x1E020, s10;
	[dreg:$0x5] =	wrdreg s0  }
0xe: {  	s6 =	sadd.s32 $0x1000, s2;
	s20 =	sadd.s32 $0x1E030, s10;
	[dreg:$0x8] =	wrdreg s19  }
0xf: {  	s8 =	ssub.s32 s16, s8;
	s21 =	sadd.s32 $0x1E040, s10;
	[dreg:$0x9] =	wrdreg s20  }
0x10: {  	s7 =	sadd.s32 $0x1800, s2;
	s22 =	sadd.s32 $0x1E050, s10;
	[dreg:$0xa] =	wrdreg s21  }
0x11: {  	s16 =	simm.s32 $0x10800;
	s23 =	sadd.s32 $0x1E060, s10;
	[dreg:$0xb] =	wrdreg s22  }
0x12: {  	s17 =	simm.s32 $0x12000;
	s24 =	sadd.s32 $0x1E070, s10;
	[dreg:$0xc] =	wrdreg s23  }
0x13: {  	s26 =	smax.u32 s8, $0x1;
	s8 =	simm.s32 $0x12800;
	[dreg:$0xd] =	wrdreg s24  }
0x14: {  	s0 =	sadd.s32 $0x10, s10;
	[dreg:$0xe] =	wrdreg s26;
	s10 =	simm.s32 $0x4000  }
0x15: {  	s20 =	simm.s32 $0x4800;
	s19 =	simm.s32 $0x5000;
	s23 =	simm.s32 $0x5800  }
0x16: {  	s24 =	simm.s32 $0x8800;
	[dreg:$0x7] =	wrdreg s0;
	s0 =	sor.u32 s4, s18  }
0x17: {  	s21 =	simm.s32 $0x2;
	s22 =	simm.s32 $0x6000;
	s28 =	sadd.s32 s0, s1  }
0x18: {  	v1 =	vlaneseq.u32;
	s18 =	simm.s32 $0x8000;
	s4 =	simm.s32 $0xC000;
	s25 =	sadd.s32 $0x2000, s28  }
0x19: {  	v0 =	vimm.s32 $0x0;
	vm0 =	vmmov $0xffff;
	v1 =	vmul.u32 $0x8, v1;
	s1 =	simm.s32 $0x400;
	[dreg:$0x4] =	wrdreg s25;
	s25 =	simm.s32 $0x3  }
.LBB2_1:
0x1a: {  	[dreg:$0xf] =	wrdreg s14  }
0x1b: {  	s0 =	rddreg [dreg:$0x5];
	s14 =	simm.s32 $0x11  }
0x1c: {  	[tilespmem:s3], [sflag:$0x11] =	stream.linear.gather [hbm4b:s0+s3], $0x4000, $0x38;
	[tilespmem:$0x14000] =	vst v63  }
0x1d: {  	_ =	swait.ge [sflag:s14], $0x4000  }
0x1e: {  	[sflag:s14] =	ssyncset.done $0x0  }
0x1f: {  	[sflag:s14] =	ssyncadd.s32 $0xFFFFC000  }
0x20: {  	v2 =	vld.msk [tilespmem:$0x0], $0x1;
	_ =	sdelay $0x4  }
0x21: {  	v3 =	vshll.u32 v2, $0x6  }
0x22: {  	v2 =	vand.u32 $0x7, v2;
	v3 =	vand.u32 $0xFFFFFE00, v3  }
0x23: {  	v2 =	vor.u32 v2, v3  }
0x24: {  	v2 =	vperm.xlane v2, v0;
	_ =	sdelay $0x1  }
0x25: {  	v2 =	vadd.s32 v1, v2;
	_ =	sdelay $0x4  }
0x26: {  	[tilespmem:s10], [sflag:$0x1] =	stream.indirect_vreg.gather [hbm4b:s2+s3], $0x80, v2, vm0, $0xb8;
	[tilespmem:$0x14000] =	vst v63  }
0x27: {  	_ = 	snop  }
0x28: {  	[tilespmem:s20], [sflag:$0x1] =	stream.indirect_vreg.gather [hbm4b:s5+s3], $0x80, v2, vm0, $0xb8;
	[tilespmem:$0x14000] =	vst v63  }
0x29: {  	_ = 	snop  }
0x2a: {  	[tilespmem:s19], [sflag:$0x1] =	stream.indirect_vreg.gather [hbm4b:s6+s3], $0x80, v2, vm0, $0xb8;
	[tilespmem:$0x14000] =	vst v63  }
0x2b: {  	_ = 	snop  }
0x2c: {  	[tilespmem:s23], [sflag:$0x1] =	stream.indirect_vreg.gather [hbm4b:s7+s3], $0x80, v2, vm0, $0xb8;
	[tilespmem:$0x14000] =	vst v63  }
0x2d: {  	v2 =	vld.msk [tilespmem:$0x80], $0x1;
	_ =	sdelay $0x4  }
0x2e: {  	v3 =	vshll.u32 v2, $0x6  }
0x2f: {  	v2 =	vand.u32 $0x7, v2;
	v3 =	vand.u32 $0xFFFFFE00, v3  }
0x30: {  	v2 =	vor.u32 v2, v3  }
0x31: {  	v2 =	vperm.xlane v2, v0;
	_ =	sdelay $0x1  }
0x32: {  	v2 =	vadd.s32 v1, v2;
	_ =	sdelay $0x3  }
0x33: {  	s19 =	simm.s32 $0x6000  }
0x34: {  	[tilespmem:s19], [sflag:$0x2] =	stream.indirect_vreg.gather [hbm4b:s2+s3], $0x80, v2, vm0, $0xb8;
	[tilespmem:$0x14000] =	vst v63  }
0x35: {  	s26 =	simm.s32 $0x6800  }
0x36: {  	[tilespmem:s26], [sflag:$0x2] =	stream.indirect_vreg.gather [hbm4b:s5+s3], $0x80, v2, vm0, $0xb8;
	[tilespmem:$0x14000] =	vst v63  }
0x37: {  	s14 =	simm.s32 $0x7000  }
0x38: {  	[tilespmem:s14], [sflag:$0x2] =	stream.indirect_vreg.gather [hbm4b:s6+s3], $0x80, v2, vm0, $0xb8;
	[tilespmem:$0x14000] =	vst v63  }
0x39: {  	s20 =	simm.s32 $0x7800  }
0x3a: {  	[tilespmem:s20], [sflag:$0x2] =	stream.indirect_vreg.gather [hbm4b:s7+s3], $0x80, v2, vm0, $0xb8;
	[tilespmem:$0x14000] =	vst v63  }
0x3b: {  	v2 =	vld.msk [tilespmem:$0x100], $0x1;
	_ =	sdelay $0x4  }
0x3c: {  	v3 =	vshll.u32 v2, $0x6  }
0x3d: {  	v2 =	vand.u32 $0x7, v2;
	v3 =	vand.u32 $0xFFFFFE00, v3  }
0x3e: {  	v2 =	vor.u32 v2, v3  }
0x3f: {  	v2 =	vperm.xlane v2, v0;
	_ =	sdelay $0x1  }
0x40: {  	v2 =	vadd.s32 v1, v2;
	_ =	sdelay $0x4  }
0x41: {  	[tilespmem:s18], [sflag:$0x3] =	stream.indirect_vreg.gather [hbm4b:s2+s3], $0x80, v2, vm0, $0xb8;
	[tilespmem:$0x14000] =	vst v63  }
0x42: {  	_ = 	snop  }
0x43: {  	[tilespmem:s24], [sflag:$0x3] =	stream.indirect_vreg.gather [hbm4b:s5+s3], $0x80, v2, vm0, $0xb8;
	[tilespmem:$0x14000] =	vst v63  }
0x44: {  	s23 =	simm.s32 $0x9000  }
0x45: {  	[tilespmem:s23], [sflag:$0x3] =	stream.indirect_vreg.gather [hbm4b:s6+s3], $0x80, v2, vm0, $0xb8;
	[tilespmem:$0x14000] =	vst v63  }
0x46: {  	s24 =	simm.s32 $0x9800  }
0x47: {  	[tilespmem:s24], [sflag:$0x3] =	stream.indirect_vreg.gather [hbm4b:s7+s3], $0x80, v2, vm0, $0xb8;
	[tilespmem:$0x14000] =	vst v63  }
0x48: {  	v2 =	vld.msk [tilespmem:$0x180], $0x1;
	_ =	sdelay $0x4  }
0x49: {  	v3 =	vshll.u32 v2, $0x6  }
0x4a: {  	v2 =	vand.u32 $0x7, v2;
	v3 =	vand.u32 $0xFFFFFE00, v3  }
0x4b: {  	v2 =	vor.u32 v2, v3  }
0x4c: {  	v2 =	vperm.xlane v2, v0;
	_ =	sdelay $0x1  }
0x4d: {  	v2 =	vadd.s32 v1, v2;
	_ =	sdelay $0x4  }
0x4e: {  	[tilespmem:s15], [sflag:$0x4] =	stream.indirect_vreg.gather [hbm4b:s2+s3], $0x80, v2, vm0, $0xb8;
	[tilespmem:$0x14000] =	vst v63  }
0x4f: {  	_ = 	snop  }
0x50: {  	[tilespmem:s30], [sflag:$0x4] =	stream.indirect_vreg.gather [hbm4b:s5+s3], $0x80, v2, vm0, $0xb8;
	[tilespmem:$0x14000] =	vst v63  }
0x51: {  	s26 =	simm.s32 $0xB000  }
0x52: {  	[tilespmem:s26], [sflag:$0x4] =	stream.indirect_vreg.gather [hbm4b:s6+s3], $0x80, v2, vm0, $0xb8;
	[tilespmem:$0x14000] =	vst v63  }
0x53: {  	s30 =	simm.s32 $0xB800  }
0x54: {  	[tilespmem:s30], [sflag:$0x4] =	stream.indirect_vreg.gather [hbm4b:s7+s3], $0x80, v2, vm0, $0xb8;
	[tilespmem:$0x14000] =	vst v63  }
0x55: {  	v2 =	vld.msk [tilespmem:$0x200], $0x1;
	_ =	sdelay $0x4  }
0x56: {  	v3 =	vshll.u32 v2, $0x6  }
0x57: {  	v2 =	vand.u32 $0x7, v2;
	v3 =	vand.u32 $0xFFFFFE00, v3  }
0x58: {  	v2 =	vor.u32 v2, v3  }
0x59: {  	v2 =	vperm.xlane v2, v0;
	_ =	sdelay $0x1  }
0x5a: {  	v2 =	vadd.s32 v1, v2;
	_ =	sdelay $0x4  }
0x5b: {  	[tilespmem:s4], [sflag:$0x5] =	stream.indirect_vreg.gather [hbm4b:s2+s3], $0x80, v2, vm0, $0xb8;
	[tilespmem:$0x14000] =	vst v63  }
0x5c: {  	_ = 	snop  }
0x5d: {  	[tilespmem:s9], [sflag:$0x5] =	stream.indirect_vreg.gather [hbm4b:s5+s3], $0x80, v2, vm0, $0xb8;
	[tilespmem:$0x14000] =	vst v63  }
0x5e: {  	s4 =	simm.s32 $0xD000  }
0x5f: {  	[tilespmem:s4], [sflag:$0x5] =	stream.indirect_vreg.gather [hbm4b:s6+s3], $0x80, v2, vm0, $0xb8;
	[tilespmem:$0x14000] =	vst v63  }
0x60: {  	s9 =	simm.s32 $0xD800  }
0x61: {  	[tilespmem:s9], [sflag:$0x5] =	stream.indirect_vreg.gather [hbm4b:s7+s3], $0x80, v2, vm0, $0xb8;
	[tilespmem:$0x14000] =	vst v63  }
0x62: {  	v2 =	vld.msk [tilespmem:$0x280], $0x1;
	_ =	sdelay $0x4  }
0x63: {  	v3 =	vshll.u32 v2, $0x6  }
0x64: {  	v2 =	vand.u32 $0x7, v2;
	v3 =	vand.u32 $0xFFFFFE00, v3  }
0x65: {  	v2 =	vor.u32 v2, v3  }
0x66: {  	v2 =	vperm.xlane v2, v0;
	_ =	sdelay $0x1  }
0x67: {  	v2 =	vadd.s32 v1, v2;
	_ =	sdelay $0x4  }
0x68: {  	[tilespmem:s11], [sflag:$0x6] =	stream.indirect_vreg.gather [hbm4b:s2+s3], $0x80, v2, vm0, $0xb8;
	[tilespmem:$0x14000] =	vst v63  }
0x69: {  	_ = 	snop  }
0x6a: {  	[tilespmem:s12], [sflag:$0x6] =	stream.indirect_vreg.gather [hbm4b:s5+s3], $0x80, v2, vm0, $0xb8;
	[tilespmem:$0x14000] =	vst v63  }
0x6b: {  	s14 =	simm.s32 $0xF000  }
0x6c: {  	[tilespmem:s14], [sflag:$0x6] =	stream.indirect_vreg.gather [hbm4b:s6+s3], $0x80, v2, vm0, $0xb8;
	[tilespmem:$0x14000] =	vst v63  }
0x6d: {  	s15 =	simm.s32 $0xF800  }
0x6e: {  	[tilespmem:s15], [sflag:$0x6] =	stream.indirect_vreg.gather [hbm4b:s7+s3], $0x80, v2, vm0, $0xb8;
	[tilespmem:$0x14000] =	vst v63  }
0x6f: {  	v2 =	vld.msk [tilespmem:$0x300], $0x1;
	_ =	sdelay $0x4  }
0x70: {  	v3 =	vshll.u32 v2, $0x6  }
0x71: {  	v2 =	vand.u32 $0x7, v2;
	v3 =	vand.u32 $0xFFFFFE00, v3  }
0x72: {  	v2 =	vor.u32 v2, v3  }
0x73: {  	v2 =	vperm.xlane v2, v0;
	_ =	sdelay $0x1  }
0x74: {  	v2 =	vadd.s32 v1, v2;
	_ =	sdelay $0x4  }
0x75: {  	[tilespmem:s13], [sflag:$0x7] =	stream.indirect_vreg.gather [hbm4b:s2+s3], $0x80, v2, vm0, $0xb8;
	[tilespmem:$0x14000] =	vst v63  }
0x76: {  	_ = 	snop  }
0x77: {  	[tilespmem:s16], [sflag:$0x7] =	stream.indirect_vreg.gather [hbm4b:s5+s3], $0x80, v2, vm0, $0xb8;
	[tilespmem:$0x14000] =	vst v63  }
0x78: {  	s18 =	simm.s32 $0x11000  }
0x79: {  	[tilespmem:s18], [sflag:$0x7] =	stream.indirect_vreg.gather [hbm4b:s6+s3], $0x80, v2, vm0, $0xb8;
	[tilespmem:$0x14000] =	vst v63  }
0x7a: {  	s20 =	simm.s32 $0x11800  }
0x7b: {  	[tilespmem:s20], [sflag:$0x7] =	stream.indirect_vreg.gather [hbm4b:s7+s3], $0x80, v2, vm0, $0xb8;
	[tilespmem:$0x14000] =	vst v63  }
0x7c: {  	v2 =	vld.msk [tilespmem:$0x380], $0x1;
	_ =	sdelay $0x4  }
0x7d: {  	v3 =	vshll.u32 v2, $0x6  }
0x7e: {  	v2 =	vand.u32 $0x7, v2;
	v3 =	vand.u32 $0xFFFFFE00, v3  }
0x7f: {  	v2 =	vor.u32 v2, v3  }
0x80: {  	v2 =	vperm.xlane v2, v0;
	_ =	sdelay $0x1  }
0x81: {  	v2 =	vadd.s32 v1, v2;
	_ =	sdelay $0x4  }
0x82: {  	[tilespmem:s17], [sflag:$0x8] =	stream.indirect_vreg.gather [hbm4b:s2+s3], $0x80, v2, vm0, $0xb8;
	[tilespmem:$0x14000] =	vst v63  }
0x83: {  	_ = 	snop  }
0x84: {  	[tilespmem:s8], [sflag:$0x8] =	stream.indirect_vreg.gather [hbm4b:s5+s3], $0x80, v2, vm0, $0xb8;
	[tilespmem:$0x14000] =	vst v63  }
0x85: {  	s23 =	simm.s32 $0x13000  }
0x86: {  	[tilespmem:s23], [sflag:$0x8] =	stream.indirect_vreg.gather [hbm4b:s6+s3], $0x80, v2, vm0, $0xb8;
	[tilespmem:$0x14000] =	vst v63  }
0x87: {  	s24 =	simm.s32 $0x13800;
	s20 =	simm.s32 $0x1  }
0x88: {  	[tilespmem:s24], [sflag:$0x8] =	stream.indirect_vreg.gather [hbm4b:s7+s3], $0x80, v2, vm0, $0xb8;
	[tilespmem:$0x14000] =	vst v63  }
0x89: {  	_ =	swait.ge [sflag:s20], $0x2000  }
0x8a: {  	[sflag:s20] =	ssyncset.done $0x0  }
0x8b: {  	s26 =	rddreg [dreg:$0x6];
	[sflag:s20] =	ssyncadd.s32 $0xFFFFE000  }
0x8c: {  	[hbm4b:s26+s31] =	stream.strided.scatter [tilespmem:s10], [sflag:$0x9], $0x2000, s1, s31, $0x38;
	[tilespmem:$0x14000] =	vst v63  }
0x8d: {  	_ =	swait.ge [sflag:s21], $0x2000  }
0x8e: {  	[sflag:s21] =	ssyncset.done $0x0  }
0x8f: {  	s30 =	rddreg [dreg:$0x7];
	[sflag:s21] =	ssyncadd.s32 $0xFFFFE000  }
0x90: {  	[hbm4b:s30+s31] =	stream.strided.scatter [tilespmem:s19], [sflag:$0xA], $0x2000, s1, s31, $0x38;
	[tilespmem:$0x14000] =	vst v63  }
0x91: {  	s14 =	simm.s32 $0x5;
	s23 =	simm.s32 $0x0;
	s19 =	simm.s32 $0x780  }
.LBB2_2:
0x92: {  	s0 =	simm.s32 $0x9  }
0x93: {  	_ =	swait.ge [sflag:s0], $0x2000  }
0x94: {  	[sflag:s0] =	ssyncset.done $0x0  }
0x95: {  	[sflag:s0] =	ssyncadd.s32 $0xFFFFE000  }
0x96: {  	v2 =	vld.msk [tilespmem:s19+$0xFFFFFC80], $0x1;
	_ =	sdelay $0x4  }
0x97: {  	v3 =	vshll.u32 v2, $0x6  }
0x98: {  	v2 =	vand.u32 $0x7, v2;
	v3 =	vand.u32 $0xFFFFFE00, v3  }
0x99: {  	v2 =	vor.u32 v2, v3  }
0x9a: {  	v2 =	vperm.xlane v2, v0;
	_ =	sdelay $0x1  }
0x9b: {  	v2 =	vadd.s32 v1, v2;
	_ =	sdelay $0x4  }
0x9c: {  	[tilespmem:s10], [sflag:$0x1] =	stream.indirect_vreg.gather [hbm4b:s2+s3], $0x80, v2, vm0, $0xb8;
	[tilespmem:$0x14000] =	vst v63  }
0x9d: {  	s18 =	simm.s32 $0x4800  }
0x9e: {  	[tilespmem:s18], [sflag:$0x1] =	stream.indirect_vreg.gather [hbm4b:s5+s3], $0x80, v2, vm0, $0xb8;
	[tilespmem:$0x14000] =	vst v63  }
0x9f: {  	s24 =	simm.s32 $0x5000  }
0xa0: {  	[tilespmem:s24], [sflag:$0x1] =	stream.indirect_vreg.gather [hbm4b:s6+s3], $0x80, v2, vm0, $0xb8;
	[tilespmem:$0x14000] =	vst v63  }
0xa1: {  	s26 =	simm.s32 $0x5800  }
0xa2: {  	[tilespmem:s26], [sflag:$0x1] =	stream.indirect_vreg.gather [hbm4b:s7+s3], $0x80, v2, vm0, $0xb8;
	[tilespmem:$0x14000] =	vst v63  }
0xa3: {  	s8 =	simm.s32 $0xA;
	_ =	swait.ge [sflag:s25], $0x2000  }
0xa4: {  	s10 =	smov.u32 s28;
	s28 =	sadd.s32 s23, s28;
	[sflag:s25] =	ssyncset.done $0x0  }
0xa5: {  	s4 =	sadd.s32 $0x20, s28;
	s24 =	simm.s32 $0x8000;
	[sflag:s25] =	ssyncadd.s32 $0xFFFFE000  }
0xa6: {  	[hbm4b:s4+s31] =	stream.strided.scatter [tilespmem:s24], [sflag:$0xB], $0x2000, s1, s31, $0x38;
	[tilespmem:$0x14000] =	vst v63  }
0xa7: {  	_ =	swait.ge [sflag:s8], $0x2000  }
0xa8: {  	[sflag:s8] =	ssyncset.done $0x0  }
0xa9: {  	[sflag:s8] =	ssyncadd.s32 $0xFFFFE000  }
0xaa: {  	v2 =	vld.msk [tilespmem:s19+$0xFFFFFD00], $0x1;
	_ =	sdelay $0x4  }
0xab: {  	v3 =	vshll.u32 v2, $0x6  }
0xac: {  	v2 =	vand.u32 $0x7, v2;
	v3 =	vand.u32 $0xFFFFFE00, v3  }
0xad: {  	v2 =	vor.u32 v2, v3  }
0xae: {  	v2 =	vperm.xlane v2, v0;
	_ =	sdelay $0x1  }
0xaf: {  	v2 =	vadd.s32 v1, v2;
	_ =	sdelay $0x4  }
0xb0: {  	[tilespmem:s22], [sflag:$0x2] =	stream.indirect_vreg.gather [hbm4b:s2+s3], $0x80, v2, vm0, $0xb8;
	[tilespmem:$0x14000] =	vst v63  }
0xb1: {  	s9 =	simm.s32 $0x6800  }
0xb2: {  	[tilespmem:s9], [sflag:$0x2] =	stream.indirect_vreg.gather [hbm4b:s5+s3], $0x80, v2, vm0, $0xb8;
	[tilespmem:$0x14000] =	vst v63  }
0xb3: {  	s11 =	simm.s32 $0x7000  }
0xb4: {  	[tilespmem:s11], [sflag:$0x2] =	stream.indirect_vreg.gather [hbm4b:s6+s3], $0x80, v2, vm0, $0xb8;
	[tilespmem:$0x14000] =	vst v63  }
0xb5: {  	s12 =	simm.s32 $0x7800  }
0xb6: {  	[tilespmem:s12], [sflag:$0x2] =	stream.indirect_vreg.gather [hbm4b:s7+s3], $0x80, v2, vm0, $0xb8;
	[tilespmem:$0x14000] =	vst v63  }
0xb7: {  	_ =	swait.ge [sflag:s29], $0x2000  }
0xb8: {  	s30 =	simm.s32 $0xA000;
	[sflag:s29] =	ssyncset.done $0x0  }
0xb9: {  	s15 =	simm.s32 $0xB;
	s13 =	sadd.s32 $0x30, s28;
	[sflag:s29] =	ssyncadd.s32 $0xFFFFE000  }
0xba: {  	[hbm4b:s13+s31] =	stream.strided.scatter [tilespmem:s30], [sflag:$0xC], $0x2000, s1, s31, $0x38;
	[tilespmem:$0x14000] =	vst v63  }
0xbb: {  	_ =	swait.ge [sflag:s15], $0x2000  }
0xbc: {  	[sflag:s15] =	ssyncset.done $0x0  }
0xbd: {  	[sflag:s15] =	ssyncadd.s32 $0xFFFFE000  }
0xbe: {  	v2 =	vld.msk [tilespmem:s19+$0xFFFFFD80], $0x1;
	_ =	sdelay $0x4  }
0xbf: {  	v3 =	vshll.u32 v2, $0x6  }
0xc0: {  	v2 =	vand.u32 $0x7, v2;
	v3 =	vand.u32 $0xFFFFFE00, v3  }
0xc1: {  	v2 =	vor.u32 v2, v3  }
0xc2: {  	v2 =	vperm.xlane v2, v0;
	_ =	sdelay $0x1  }
0xc3: {  	v2 =	vadd.s32 v1, v2;
	_ =	sdelay $0x4  }
0xc4: {  	[tilespmem:s24], [sflag:$0x3] =	stream.indirect_vreg.gather [hbm4b:s2+s3], $0x80, v2, vm0, $0xb8;
	[tilespmem:$0x14000] =	vst v63  }
0xc5: {  	s24 =	simm.s32 $0x8800  }
0xc6: {  	[tilespmem:s24], [sflag:$0x3] =	stream.indirect_vreg.gather [hbm4b:s5+s3], $0x80, v2, vm0, $0xb8;
	[tilespmem:$0x14000] =	vst v63  }
0xc7: {  	s16 =	simm.s32 $0x9000  }
0xc8: {  	[tilespmem:s16], [sflag:$0x3] =	stream.indirect_vreg.gather [hbm4b:s6+s3], $0x80, v2, vm0, $0xb8;
	[tilespmem:$0x14000] =	vst v63  }
0xc9: {  	s17 =	simm.s32 $0x9800  }
0xca: {  	[tilespmem:s17], [sflag:$0x3] =	stream.indirect_vreg.gather [hbm4b:s7+s3], $0x80, v2, vm0, $0xb8;
	[tilespmem:$0x14000] =	vst v63  }
0xcb: {  	_ =	swait.ge [sflag:s14], $0x2000  }
0xcc: {  	s26 =	sadd.s32 $0x40, s28;
	[sflag:s14] =	ssyncset.done $0x0  }
0xcd: {  	s4 =	simm.s32 $0xC;
	s9 =	simm.s32 $0xC000;
	[sflag:s14] =	ssyncadd.s32 $0xFFFFE000  }
0xce: {  	[hbm4b:s26+s31] =	stream.strided.scatter [tilespmem:s9], [sflag:$0xD], $0x2000, s1, s31, $0x38;
	[tilespmem:$0x14000] =	vst v63  }
0xcf: {  	_ =	swait.ge [sflag:s4], $0x2000  }
0xd0: {  	[sflag:s4] =	ssyncset.done $0x0  }
0xd1: {  	[sflag:s4] =	ssyncadd.s32 $0xFFFFE000  }
0xd2: {  	v2 =	vld.msk [tilespmem:s19+$0xFFFFFE00], $0x1;
	_ =	sdelay $0x4  }
0xd3: {  	v3 =	vshll.u32 v2, $0x6  }
0xd4: {  	v2 =	vand.u32 $0x7, v2;
	v3 =	vand.u32 $0xFFFFFE00, v3  }
0xd5: {  	v2 =	vor.u32 v2, v3  }
0xd6: {  	v2 =	vperm.xlane v2, v0;
	_ =	sdelay $0x1  }
0xd7: {  	v2 =	vadd.s32 v1, v2;
	_ =	sdelay $0x4  }
0xd8: {  	[tilespmem:s30], [sflag:$0x4] =	stream.indirect_vreg.gather [hbm4b:s2+s3], $0x80, v2, vm0, $0xb8;
	[tilespmem:$0x14000] =	vst v63  }
0xd9: {  	s30 =	simm.s32 $0xA800  }
0xda: {  	[tilespmem:s30], [sflag:$0x4] =	stream.indirect_vreg.gather [hbm4b:s5+s3], $0x80, v2, vm0, $0xb8;
	[tilespmem:$0x14000] =	vst v63  }
0xdb: {  	s8 =	simm.s32 $0xB000  }
0xdc: {  	[tilespmem:s8], [sflag:$0x4] =	stream.indirect_vreg.gather [hbm4b:s6+s3], $0x80, v2, vm0, $0xb8;
	[tilespmem:$0x14000] =	vst v63  }
0xdd: {  	s11 =	simm.s32 $0xB800;
	s12 =	simm.s32 $0x6  }
0xde: {  	[tilespmem:s11], [sflag:$0x4] =	stream.indirect_vreg.gather [hbm4b:s7+s3], $0x80, v2, vm0, $0xb8;
	[tilespmem:$0x14000] =	vst v63  }
0xdf: {  	_ =	swait.ge [sflag:s12], $0x2000  }
0xe0: {  	s13 =	sadd.s32 $0x50, s28;
	[sflag:s12] =	ssyncset.done $0x0  }
0xe1: {  	s16 =	simm.s32 $0xD;
	[sflag:s12] =	ssyncadd.s32 $0xFFFFE000;
	s12 =	simm.s32 $0xE000  }
0xe2: {  	[hbm4b:s13+s31] =	stream.strided.scatter [tilespmem:s12], [sflag:$0xE], $0x2000, s1, s31, $0x38;
	[tilespmem:$0x14000] =	vst v63  }
0xe3: {  	_ =	swait.ge [sflag:s16], $0x2000  }
0xe4: {  	[sflag:s16] =	ssyncset.done $0x0  }
0xe5: {  	[sflag:s16] =	ssyncadd.s32 $0xFFFFE000  }
0xe6: {  	v2 =	vld.msk [tilespmem:s19+$0xFFFFFE80], $0x1;
	_ =	sdelay $0x4  }
0xe7: {  	v3 =	vshll.u32 v2, $0x6  }
0xe8: {  	v2 =	vand.u32 $0x7, v2;
	v3 =	vand.u32 $0xFFFFFE00, v3  }
0xe9: {  	v2 =	vor.u32 v2, v3  }
0xea: {  	v2 =	vperm.xlane v2, v0;
	_ =	sdelay $0x1  }
0xeb: {  	v2 =	vadd.s32 v1, v2;
	_ =	sdelay $0x4  }
0xec: {  	[tilespmem:s9], [sflag:$0x5] =	stream.indirect_vreg.gather [hbm4b:s2+s3], $0x80, v2, vm0, $0xb8;
	[tilespmem:$0x14000] =	vst v63  }
0xed: {  	s9 =	simm.s32 $0xC800  }
0xee: {  	[tilespmem:s9], [sflag:$0x5] =	stream.indirect_vreg.gather [hbm4b:s5+s3], $0x80, v2, vm0, $0xb8;
	[tilespmem:$0x14000] =	vst v63  }
0xef: {  	s17 =	simm.s32 $0xD000  }
0xf0: {  	[tilespmem:s17], [sflag:$0x5] =	stream.indirect_vreg.gather [hbm4b:s6+s3], $0x80, v2, vm0, $0xb8;
	[tilespmem:$0x14000] =	vst v63  }
0xf1: {  	s26 =	simm.s32 $0xD800;
	s8 =	simm.s32 $0x7  }
0xf2: {  	[tilespmem:s26], [sflag:$0x5] =	stream.indirect_vreg.gather [hbm4b:s7+s3], $0x80, v2, vm0, $0xb8;
	[tilespmem:$0x14000] =	vst v63  }
0xf3: {  	_ =	swait.ge [sflag:s8], $0x2000  }
0xf4: {  	s11 =	sadd.s32 $0x60, s28;
	[sflag:s8] =	ssyncset.done $0x0  }
0xf5: {  	s13 =	simm.s32 $0xE;
	s16 =	simm.s32 $0x10000;
	[sflag:s8] =	ssyncadd.s32 $0xFFFFE000  }
0xf6: {  	[hbm4b:s11+s31] =	stream.strided.scatter [tilespmem:s16], [sflag:$0xF], $0x2000, s1, s31, $0x38;
	[tilespmem:$0x14000] =	vst v63  }
0xf7: {  	_ =	swait.ge [sflag:s13], $0x2000  }
0xf8: {  	[sflag:s13] =	ssyncset.done $0x0  }
0xf9: {  	[sflag:s13] =	ssyncadd.s32 $0xFFFFE000  }
0xfa: {  	v2 =	vld.msk [tilespmem:s19+$0xFFFFFF00], $0x1;
	_ =	sdelay $0x4  }
0xfb: {  	v3 =	vshll.u32 v2, $0x6  }
0xfc: {  	v2 =	vand.u32 $0x7, v2;
	v3 =	vand.u32 $0xFFFFFE00, v3  }
0xfd: {  	v2 =	vor.u32 v2, v3  }
0xfe: {  	v2 =	vperm.xlane v2, v0;
	_ =	sdelay $0x1  }
0xff: {  	v2 =	vadd.s32 v1, v2;
	_ =	sdelay $0x4  }
0x100: {  	[tilespmem:s12], [sflag:$0x6] =	stream.indirect_vreg.gather [hbm4b:s2+s3], $0x80, v2, vm0, $0xb8;
	[tilespmem:$0x14000] =	vst v63  }
0x101: {  	s12 =	simm.s32 $0xE800  }
0x102: {  	[tilespmem:s12], [sflag:$0x6] =	stream.indirect_vreg.gather [hbm4b:s5+s3], $0x80, v2, vm0, $0xb8;
	[tilespmem:$0x14000] =	vst v63  }
0x103: {  	s17 =	simm.s32 $0xF000  }
0x104: {  	[tilespmem:s17], [sflag:$0x6] =	stream.indirect_vreg.gather [hbm4b:s6+s3], $0x80, v2, vm0, $0xb8;
	[tilespmem:$0x14000] =	vst v63  }
0x105: {  	s26 =	simm.s32 $0xF800;
	s8 =	simm.s32 $0x8  }
0x106: {  	[tilespmem:s26], [sflag:$0x6] =	stream.indirect_vreg.gather [hbm4b:s7+s3], $0x80, v2, vm0, $0xb8;
	[tilespmem:$0x14000] =	vst v63  }
0x107: {  	_ =	swait.ge [sflag:s8], $0x2000  }
0x108: {  	s13 =	sadd.s32 $0x70, s28;
	[sflag:s8] =	ssyncset.done $0x0  }
0x109: {  	s17 =	simm.s32 $0xF;
	[sflag:s8] =	ssyncadd.s32 $0xFFFFE000;
	s8 =	simm.s32 $0x12000  }
0x10a: {  	[hbm4b:s13+s31] =	stream.strided.scatter [tilespmem:s8], [sflag:$0x10], $0x2000, s1, s31, $0x38;
	[tilespmem:$0x14000] =	vst v63  }
0x10b: {  	_ =	swait.ge [sflag:s17], $0x2000  }
0x10c: {  	[sflag:s17] =	ssyncset.done $0x0  }
0x10d: {  	[sflag:s17] =	ssyncadd.s32 $0xFFFFE000  }
0x10e: {  	v2 =	vld.msk [tilespmem:s19+$0xFFFFFF80], $0x1;
	_ =	sdelay $0x4  }
0x10f: {  	v3 =	vshll.u32 v2, $0x6  }
0x110: {  	v2 =	vand.u32 $0x7, v2;
	v3 =	vand.u32 $0xFFFFFE00, v3  }
0x111: {  	v2 =	vor.u32 v2, v3  }
0x112: {  	v2 =	vperm.xlane v2, v0;
	_ =	sdelay $0x1  }
0x113: {  	v2 =	vadd.s32 v1, v2;
	_ =	sdelay $0x4  }
0x114: {  	[tilespmem:s16], [sflag:$0x7] =	stream.indirect_vreg.gather [hbm4b:s2+s3], $0x80, v2, vm0, $0xb8;
	[tilespmem:$0x14000] =	vst v63  }
0x115: {  	s16 =	simm.s32 $0x10800  }
0x116: {  	[tilespmem:s16], [sflag:$0x7] =	stream.indirect_vreg.gather [hbm4b:s5+s3], $0x80, v2, vm0, $0xb8;
	[tilespmem:$0x14000] =	vst v63  }
0x117: {  	s26 =	simm.s32 $0x11000  }
0x118: {  	[tilespmem:s26], [sflag:$0x7] =	stream.indirect_vreg.gather [hbm4b:s6+s3], $0x80, v2, vm0, $0xb8;
	[tilespmem:$0x14000] =	vst v63  }
0x119: {  	s17 =	simm.s32 $0x11800  }
0x11a: {  	[tilespmem:s17], [sflag:$0x7] =	stream.indirect_vreg.gather [hbm4b:s7+s3], $0x80, v2, vm0, $0xb8;
	[tilespmem:$0x14000] =	vst v63  }
0x11b: {  	s28 =	smov.u32 s10;
	_ =	swait.ge [sflag:s20], $0x2000  }
0x11c: {  	s10 =	simm.s32 $0x4000;
	s26 =	rddreg [dreg:$0x4];
	[sflag:s20] =	ssyncset.done $0x0  }
0x11d: {  	s17 =	simm.s32 $0x10;
	[sflag:s20] =	ssyncadd.s32 $0xFFFFE000;
	s0 =	sadd.s32 s23, s26  }
0x11e: {  	[hbm4b:s0+s31] =	stream.strided.scatter [tilespmem:s10], [sflag:$0x9], $0x2000, s1, s31, $0x38;
	[tilespmem:$0x14000] =	vst v63  }
0x11f: {  	_ =	swait.ge [sflag:s17], $0x2000  }
0x120: {  	[sflag:s17] =	ssyncset.done $0x0  }
0x121: {  	[sflag:s17] =	ssyncadd.s32 $0xFFFFE000  }
0x122: {  	v2 =	vld.msk [tilespmem:s19+$0x0], $0x1;
	_ =	sdelay $0x4  }
0x123: {  	v3 =	vshll.u32 v2, $0x6  }
0x124: {  	v2 =	vand.u32 $0x7, v2;
	v3 =	vand.u32 $0xFFFFFE00, v3  }
0x125: {  	v2 =	vor.u32 v2, v3  }
0x126: {  	v2 =	vperm.xlane v2, v0;
	_ =	sdelay $0x1  }
0x127: {  	v2 =	vadd.s32 v1, v2;
	_ =	sdelay $0x4  }
0x128: {  	[tilespmem:s8], [sflag:$0x8] =	stream.indirect_vreg.gather [hbm4b:s2+s3], $0x80, v2, vm0, $0xb8;
	[tilespmem:$0x14000] =	vst v63  }
0x129: {  	s8 =	simm.s32 $0x12800  }
0x12a: {  	[tilespmem:s8], [sflag:$0x8] =	stream.indirect_vreg.gather [hbm4b:s5+s3], $0x80, v2, vm0, $0xb8;
	[tilespmem:$0x14000] =	vst v63  }
0x12b: {  	s26 =	simm.s32 $0x13000  }
0x12c: {  	[tilespmem:s26], [sflag:$0x8] =	stream.indirect_vreg.gather [hbm4b:s6+s3], $0x80, v2, vm0, $0xb8;
	[tilespmem:$0x14000] =	vst v63  }
0x12d: {  	p0 =	sne.s32 s23, $0x1C000;
	s18 =	simm.s32 $0x8000;
	s26 =	simm.s32 $0x13800  }
0x12e: {  	[tilespmem:s26], [sflag:$0x8] =	stream.indirect_vreg.gather [hbm4b:s7+s3], $0x80, v2, vm0, $0xb8;
	[tilespmem:$0x14000] =	vst v63  }
.Ltmp0:
0x12f: {  	s15 =	simm.s32 $0xA000;
	s4 =	simm.s32 $0xC000;
	(pc) =	sbr.rel @p0 .LBB2_2-.Ltmp0, $4  }
0x130: {  	s11 =	simm.s32 $0xE000;
	s13 =	simm.s32 $0x10000;
	_ =	swait.ge [sflag:s21], $0x2000  }
0x131: {  	s23 =	sadd.s32 $0x2000, s23;
	s0 =	sadd.s32 $0x10, s0;
	[sflag:s21] =	ssyncset.done $0x0  }
0x132: {  	s17 =	simm.s32 $0x12000;
	s19 =	sadd.s32 $0x400, s19;
	[sflag:s21] =	ssyncadd.s32 $0xFFFFE000  }
0x133: {  	[hbm4b:s0+s31] =	stream.strided.scatter [tilespmem:s22], [sflag:$0xA], $0x2000, s1, s31, $0x38;
	[tilespmem:$0x14000] =	vst v63  }
0x134: {  	_ =	swait.ge [sflag:s25], $0x2000  }
0x135: {  	[sflag:s25] =	ssyncset.done $0x0  }
0x136: {  	s0 =	rddreg [dreg:$0x8];
	[sflag:s25] =	ssyncadd.s32 $0xFFFFE000  }
0x137: {  	[hbm4b:s0+s31] =	stream.strided.scatter [tilespmem:s18], [sflag:$0xB], $0x2000, s1, s31, $0x38;
	[tilespmem:$0x14000] =	vst v63  }
0x138: {  	_ =	swait.ge [sflag:s29], $0x2000  }
0x139: {  	[sflag:s29] =	ssyncset.done $0x0  }
0x13a: {  	s23 =	rddreg [dreg:$0x9];
	[sflag:s29] =	ssyncadd.s32 $0xFFFFE000  }
0x13b: {  	[hbm4b:s23+s31] =	stream.strided.scatter [tilespmem:s15], [sflag:$0xC], $0x2000, s1, s31, $0x38;
	[tilespmem:$0x14000] =	vst v63  }
0x13c: {  	_ =	swait.ge [sflag:s14], $0x2000  }
0x13d: {  	[sflag:s14] =	ssyncset.done $0x0  }
0x13e: {  	s26 =	rddreg [dreg:$0xa];
	[sflag:s14] =	ssyncadd.s32 $0xFFFFE000;
	s14 =	simm.s32 $0x6  }
0x13f: {  	[hbm4b:s26+s31] =	stream.strided.scatter [tilespmem:s4], [sflag:$0xD], $0x2000, s1, s31, $0x38;
	[tilespmem:$0x14000] =	vst v63  }
0x140: {  	_ =	swait.ge [sflag:s14], $0x2000  }
0x141: {  	[sflag:s14] =	ssyncset.done $0x0  }
0x142: {  	s20 =	simm.s32 $0x7;
	s19 =	rddreg [dreg:$0xb];
	[sflag:s14] =	ssyncadd.s32 $0xFFFFE000  }
0x143: {  	[hbm4b:s19+s31] =	stream.strided.scatter [tilespmem:s11], [sflag:$0xE], $0x2000, s1, s31, $0x38;
	[tilespmem:$0x14000] =	vst v63  }
0x144: {  	_ =	swait.ge [sflag:s20], $0x2000  }
0x145: {  	[sflag:s20] =	ssyncset.done $0x0  }
0x146: {  	s26 =	simm.s32 $0x8;
	s23 =	rddreg [dreg:$0xc];
	[sflag:s20] =	ssyncadd.s32 $0xFFFFE000  }
0x147: {  	[hbm4b:s23+s31] =	stream.strided.scatter [tilespmem:s13], [sflag:$0xF], $0x2000, s1, s31, $0x38;
	[tilespmem:$0x14000] =	vst v63  }
0x148: {  	_ =	swait.ge [sflag:s26], $0x2000  }
0x149: {  	[sflag:s26] =	ssyncset.done $0x0  }
0x14a: {  	s19 =	simm.s32 $0x9;
	s14 =	rddreg [dreg:$0xd];
	[sflag:s26] =	ssyncadd.s32 $0xFFFFE000  }
0x14b: {  	[hbm4b:s14+s31] =	stream.strided.scatter [tilespmem:s17], [sflag:$0x10], $0x2000, s1, s31, $0x38;
	[tilespmem:$0x14000] =	vst v63  }
0x14c: {  	_ =	swait.ge [sflag:s19], $0x2000  }
0x14d: {  	[sflag:s19] =	ssyncset.done $0x0  }
0x14e: {  	s20 =	simm.s32 $0xA;
	[sflag:s19] =	ssyncadd.s32 $0xFFFFE000  }
0x14f: {  	_ =	swait.ge [sflag:s20], $0x2000  }
0x150: {  	[sflag:s20] =	ssyncset.done $0x0  }
0x151: {  	s23 =	simm.s32 $0xB;
	[sflag:s20] =	ssyncadd.s32 $0xFFFFE000  }
0x152: {  	_ =	swait.ge [sflag:s23], $0x2000  }
0x153: {  	[sflag:s23] =	ssyncset.done $0x0  }
0x154: {  	s26 =	simm.s32 $0xC;
	[sflag:s23] =	ssyncadd.s32 $0xFFFFE000  }
0x155: {  	_ =	swait.ge [sflag:s26], $0x2000  }
0x156: {  	[sflag:s26] =	ssyncset.done $0x0  }
0x157: {  	s14 =	simm.s32 $0xD;
	[sflag:s26] =	ssyncadd.s32 $0xFFFFE000  }
0x158: {  	_ =	swait.ge [sflag:s14], $0x2000  }
0x159: {  	[sflag:s14] =	ssyncset.done $0x0  }
0x15a: {  	s19 =	simm.s32 $0xE;
	[sflag:s14] =	ssyncadd.s32 $0xFFFFE000  }
0x15b: {  	_ =	swait.ge [sflag:s19], $0x2000  }
0x15c: {  	[sflag:s19] =	ssyncset.done $0x0  }
0x15d: {  	s20 =	simm.s32 $0xF;
	[sflag:s19] =	ssyncadd.s32 $0xFFFFE000  }
0x15e: {  	_ =	swait.ge [sflag:s20], $0x2000  }
0x15f: {  	[sflag:s20] =	ssyncset.done $0x0  }
0x160: {  	s19 =	simm.s32 $0x10;
	[sflag:s20] =	ssyncadd.s32 $0xFFFFE000  }
0x161: {  	_ =	swait.ge [sflag:s19], $0x2000  }
0x162: {  	s23 =	rddreg [dreg:$0xf]  }
0x163: {  	s26 =	rddreg [dreg:$0xe];
	s14 =	sadd.s32 $0x1, s23  }
0x164: {  	p0 =	sne.s32 s14, s26  }
.Ltmp1:
0x165: {  	_ = 	snop;
	(pc) =	sbr.rel @p0 .LBB2_1-.Ltmp1, $3  }
0x166: {  	_ =	sdelay $0x1  }
0x167: {  	s20 =	simm.s32 $0x4800;
	[sflag:s19] =	ssyncset.done $0x0  }
0x168: {  	[sflag:s19] =	ssyncadd.s32 $0xFFFFE000;
	s19 =	simm.s32 $0x5000;
	s23 =	simm.s32 $0x5800  }
0x169: {  	_ =	sfence.sel $0x180000  }
0x16a: {  	[bflag:$0x0] =	sbarrier.arrive $0xFFFF  }
0x16b: {  	_ =	strace $0x90000047  }
0x16c: {  	s0 =	stileid.u32;
	[bflag:$0x2] =	sbarrier.arrive $0xFFFF  }
0x16d: {  	p0 =	sne.s32 s0, $0x0;
	s0 =	rddreg [dreg:$0x3]  }
0x16e: {  	s0 =	sadd.s32 @!p0 $0x100000, s0  }
0x16f: {  	[sflag:s0] =	ssyncadd.tile.s32 @!p0 $0x1;
	_ =	shalt  }
.Lfunc_end2:
_tile_overlayer_lowered:
.L_overlay_start_2:
0x170: {  	(tag) =	ssettag $0x2  }
0x171: {  	s0 =	rddreg [dreg:$0x0];
	s2 =	stileid.u32  }
0x172: {  	s1 =	rddreg [dreg:$0x1];
	p0 =	sne.s32 s2, $0x0  }
0x173: {  	s3 =	rddreg [dreg:$0x2];
	[bflag:$0x3] =	sbarrier.arrive $0xFFFF;
	s2 =	simm.s32 @!p0 $0x1C11  }
0x174: {  	[timem:s3], [sflag:s2] =	dma.local @!p0 [hbm:s0], s1  }
0x175: {  	s0 =	simm.s32 @!p0 $0x11  }
0x176: {  	_ =	swait.ge @!p0 [sflag:s0], s1  }
0x177: {  	s1 =	ssub.s32 @!p0 $0x0, s1;
	[sflag:s0] =	ssyncset.done @!p0 $0x0  }
0x178: {  	[sflag:s0] =	ssyncadd.s32 @!p0 s1  }
0x179: {  	[bflag:$0x3] =	sbarrier.arrive $0xFFFF  }
0x17a: {  	_ =	shalt  }

</sc_bundles>
